<compile_context>
chip_gen: v7x
topology: tpu7x:2x2x1
jax: 0.10.2.dev20260603
libtpu: 0.0.44.dev20260713+nightly
codegen_flags: <defaults>
</compile_context>

<pallas_src>
import functools

import jax
import jax.numpy as jnp
from jax import lax
from jax.experimental import pallas as pl
from jax.experimental.pallas import tpu as pltpu
from jax.experimental.pallas import tpu_sc as plsc

_NUM_FIELDS = 26
_VOCAB = 100000
_T0 = 33408
_T1 = 33408
_T2 = _VOCAB - _T0 - _T1
_OFF1 = _T0
_OFF2 = _T0 + _T1
_EMBED_DIM = 32
_BATCH = 4096

_ROWS = _NUM_FIELDS * _EMBED_DIM
_NUM_CORES = 2
_NUM_SUBCORES = 16
_LANES = 16
_UNROLL = 8
_BVECS = _BATCH // _LANES


def _make_gather():
    mesh = plsc.VectorSubcoreMesh(core_axis_name="c", subcore_axis_name="s")

    @functools.partial(
        pl.kernel,
        mesh=mesh,
        out_type=jax.ShapeDtypeStruct((_ROWS, _BATCH), jnp.float32),
        scratch_types=[
            pltpu.VMEM((_T0,), jnp.float32),
            pltpu.VMEM((_T1,), jnp.float32),
            pltpu.VMEM((_T2,), jnp.float32),
            pltpu.VMEM((_BATCH,), jnp.int32),
            pltpu.VMEM((_BATCH,), jnp.int32),
            pltpu.VMEM((_BATCH,), jnp.float32),
            pltpu.VMEM((_BATCH,), jnp.float32),
            pltpu.SemaphoreType.DMA,
            pltpu.SemaphoreType.DMA,
            pltpu.SemaphoreType.DMA,
            pltpu.SemaphoreType.DMA,
            pltpu.SemaphoreType.DMA,
            pltpu.SemaphoreType.DMA,
            pltpu.SemaphoreType.DMA,
        ],
        compiler_params=pltpu.CompilerParams(needs_layout_passes=False),
    )
    def gather_k(tab_hbm, idx_hbm, out_hbm,
                 buf0, buf1, buf2, idx0, idx1, outv0, outv1,
                 sem0, sem1, sem2, sem_i0, sem_i1, sem_o0, sem_o1):
        w = lax.axis_index("c") * _NUM_SUBCORES + lax.axis_index("s")

        def third(r, off, n, buf, sem):
            return pltpu.make_async_copy(
                tab_hbm.at[r].at[pl.ds(off, n)], buf, sem)

        def idx_dma(k, buf, sem):
            return pltpu.make_async_copy(idx_hbm.at[k], buf, sem)

        def out_dma(r, buf, sem):
            return pltpu.make_async_copy(buf, out_hbm.at[r], sem)

        def pass0(idx_v, out_v):
            def body(j, c2):
                for u in range(_UNROLL):
                    sl = pl.ds((j * _UNROLL + u) * _LANES, _LANES)
                    iv = idx_v[sl]
                    m = iv < _T0
                    out_v[sl] = plsc.load_gather(buf0, [iv], mask=m)
                return c2

            lax.fori_loop(0, _BVECS // _UNROLL, body, 0)

        def pass1(idx_v, out_v):
            def body(j, c2):
                for u in range(_UNROLL):
                    sl = pl.ds((j * _UNROLL + u) * _LANES, _LANES)
                    d = idx_v[sl] - _OFF1
                    m = d.astype(jnp.uint32) < jnp.uint32(_T1)
                    g = plsc.load_gather(buf1, [d], mask=m)
                    out_v[sl] = jnp.where(m, g, out_v[sl])
                return c2

            lax.fori_loop(0, _BVECS // _UNROLL, body, 0)

        def pass2(idx_v, out_v):
            def body(j, c2):
                for u in range(_UNROLL):
                    sl = pl.ds((j * _UNROLL + u) * _LANES, _LANES)
                    d = idx_v[sl] - _OFF2
                    m = d >= 0
                    g = plsc.load_gather(buf2, [d], mask=m)
                    out_v[sl] = jnp.where(m, g, out_v[sl])
                return c2

            lax.fori_loop(0, _BVECS // _UNROLL, body, 0)

        def field(r, idx_v, out_v, has_next):
            pltpu.make_async_copy(
                tab_hbm.at[r].at[pl.ds(0, _T0)], buf0, sem0).wait()
            pass0(idx_v, out_v)

            @pl.when(has_next)
            def _():
                third(r + _EMBED_DIM, 0, _T0, buf0, sem0).start()

            pltpu.make_async_copy(
                tab_hbm.at[r].at[pl.ds(_OFF1, _T1)], buf1, sem1).wait()
            pass1(idx_v, out_v)

            @pl.when(has_next)
            def _():
                third(r + _EMBED_DIM, _OFF1, _T1, buf1, sem1).start()

            pltpu.make_async_copy(
                tab_hbm.at[r].at[pl.ds(_OFF2, _T2)], buf2, sem2).wait()
            pass2(idx_v, out_v)

            @pl.when(has_next)
            def _():
                third(r + _EMBED_DIM, _OFF2, _T2, buf2, sem2).start()

        third(w, 0, _T0, buf0, sem0).start()
        third(w, _OFF1, _T1, buf1, sem1).start()
        third(w, _OFF2, _T2, buf2, sem2).start()
        pltpu.sync_copy(idx_hbm.at[0], idx0)

        def field_pair(m, carry):
            k0 = m * 2
            k1 = k0 + 1
            r0 = k0 * _EMBED_DIM + w
            r1 = r0 + _EMBED_DIM

            @pl.when(m > 0)
            def _():
                out_dma(r0, outv0, sem_o0).wait()

            idx_dma(k1, idx1, sem_i1).start()
            field(r0, idx0, outv0, k1 < _NUM_FIELDS)
            out_dma(r0, outv0, sem_o0).start()

            @pl.when(m > 0)
            def _():
                out_dma(r1, outv1, sem_o1).wait()

            @pl.when(k1 + 1 < _NUM_FIELDS)
            def _():
                idx_dma(k1 + 1, idx0, sem_i0).start()

            idx_dma(k1, idx1, sem_i1).wait()
            field(r1, idx1, outv1, k1 + 1 < _NUM_FIELDS)
            out_dma(r1, outv1, sem_o1).start()

            @pl.when(k1 + 1 < _NUM_FIELDS)
            def _():
                idx_dma(k1 + 1, idx0, sem_i0).wait()

            return carry

        lax.fori_loop(0, _NUM_FIELDS // 2, field_pair, 0)
        out_dma(_ROWS - 2 * _EMBED_DIM + w, outv0, sem_o0).wait()
        out_dma(_ROWS - _EMBED_DIM + w, outv1, sem_o1).wait()

    return gather_k


_gather = _make_gather()


def kernel(x_cat, tables):
    tab2d = jnp.transpose(tables, (0, 2, 1)).reshape(_ROWS, _VOCAB)
    xt = jnp.transpose(x_cat.astype(jnp.int32))
    out_t = _gather(tab2d, xt)
    return jnp.transpose(out_t)

# --- scband reference (transcript-rebuilt; emitter-appended) ---
"""Pipeline reference for scband-embedding-block-46497315947018 (READ-ONLY COPY).

The authoritative reference and input builder live on the scoring server;
editing this copy changes nothing except your own understanding.
"""

import jax, jax.numpy as jnp
import numpy as np

NUM_FIELDS = 26
VOCAB = 100000
EMBED_DIM = 32
BATCH = 4096


def setup_inputs(seed: int = 0) -> dict:
    key = jax.random.key(seed)
    k_idx, k_tab = jax.random.split(key)
    x_cat = jax.random.randint(k_idx, (BATCH, NUM_FIELDS), 0, VOCAB, dtype=jnp.int64 if jax.config.jax_enable_x64 else jnp.int32)
    # learned parameters: one embedding table per categorical field, stacked
    tables = jax.random.normal(k_tab, (NUM_FIELDS, VOCAB, EMBED_DIM), dtype=jnp.float32) * 0.01
    return {"x_cat": x_cat, "tables": tables}


def reference(x_cat, tables):
    # Faithful translation of EmbeddingBlock.forward:
    # for each field i, look up emb_i(x_cat[:, i]); concat along last dim; dropout p=0.0 is identity.
    outs = []
    for i in range(NUM_FIELDS):
        outs.append(jnp.take(tables[i], x_cat[:, i], axis=0))
    out = jnp.concatenate(outs, axis=-1)
    return out

if __name__ == "__main__":
    import jax
    _d = setup_inputs()
    print(jax.jit(kernel)(*tuple(_d.values())))

</pallas_src>

<mosaic_0001>
#map = affine_map<(d0, d1) -> (0, 0)>
module attributes {stable_mosaic.version = 14 : i64} {
  func.func @gather_k(%arg0: i32, %arg1: i32, %arg2: memref<832x100000xf32, #tpu.memory_space<hbm>>, %arg3: memref<26x4096xi32, #tpu.memory_space<hbm>>, %arg4: memref<832x4096xf32, #tpu.memory_space<hbm>>, %arg5: memref<33408xf32, #tpu.memory_space<vmem>>, %arg6: memref<33408xf32, #tpu.memory_space<vmem>>, %arg7: memref<33184xf32, #tpu.memory_space<vmem>>, %arg8: memref<4096xi32, #tpu.memory_space<vmem>>, %arg9: memref<4096xi32, #tpu.memory_space<vmem>>, %arg10: memref<4096xf32, #tpu.memory_space<vmem>>, %arg11: memref<4096xf32, #tpu.memory_space<vmem>>, %arg12: memref<!tpu.dma_semaphore, #tpu.memory_space<semaphore_mem>>, %arg13: memref<!tpu.dma_semaphore, #tpu.memory_space<semaphore_mem>>, %arg14: memref<!tpu.dma_semaphore, #tpu.memory_space<semaphore_mem>>, %arg15: memref<!tpu.dma_semaphore, #tpu.memory_space<semaphore_mem>>, %arg16: memref<!tpu.dma_semaphore, #tpu.memory_space<semaphore_mem>>, %arg17: memref<!tpu.dma_semaphore, #tpu.memory_space<semaphore_mem>>, %arg18: memref<!tpu.dma_semaphore, #tpu.memory_space<semaphore_mem>>) attributes {dimension_semantics = [#tpu.dimension_semantics<core_parallel>, #tpu.dimension_semantics<subcore_parallel>], iteration_bounds = array<i64: 2, 16>, scalar_prefetch = 0 : i64, scratch_operands = 14 : i64, tpu.core_type = #tpu.core_type<sc_vector_subcore>, window_params = [{transform_indices = #map}, {transform_indices = #map}, {transform_indices = #map}]} {
    %mul3A = arith.constant 16 : i32
    %mul3A_0 = arith.muli %arg0, %mul3A : i32
    %add3A = arith.addi %mul3A_0, %arg1 : i32
    %dma_start3A = arith.constant 0 : i32
    %dma_start3A_1 = tpu.memref_slice %arg2[%add3A, %dma_start3A] : memref<832x100000xf32, #tpu.memory_space<hbm>> -> memref<1x100000xf32, #tpu.memory_space<hbm>>
    %dma_start3A_2 = tpu.memref_squeeze %dma_start3A_1 : memref<1x100000xf32, #tpu.memory_space<hbm>> -> memref<100000xf32, #tpu.memory_space<hbm>>
    %dma_start3A_3 = arith.constant 0 : i32
    %dma_start3A_4 = tpu.memref_slice %dma_start3A_2[%dma_start3A_3] : memref<100000xf32, #tpu.memory_space<hbm>> -> memref<33408xf32, #tpu.memory_space<hbm>>
    %dma_start3A_5 = arith.constant 0 : i32
    %dma_start3A_6 = tpu.memref_slice %arg2[%add3A, %dma_start3A_5] : memref<832x100000xf32, #tpu.memory_space<hbm>> -> memref<1x100000xf32, #tpu.memory_space<hbm>>
    %dma_start3A_7 = tpu.memref_squeeze %dma_start3A_6 : memref<1x100000xf32, #tpu.memory_space<hbm>> -> memref<100000xf32, #tpu.memory_space<hbm>>
    %dma_start3A_8 = arith.constant 0 : i32
    %dma_start3A_9 = tpu.memref_slice %dma_start3A_7[%dma_start3A_8] : memref<100000xf32, #tpu.memory_space<hbm>> -> memref<33408xf32, #tpu.memory_space<hbm>>
    tpu.enqueue_dma source(%dma_start3A_9 : memref<33408xf32, #tpu.memory_space<hbm>>) target(%arg5 : memref<33408xf32, #tpu.memory_space<vmem>>) target_semaphore(%arg12 : memref<!tpu.dma_semaphore, #tpu.memory_space<semaphore_mem>>)
    %dma_start3A_10 = arith.constant 0 : i32
    %dma_start3A_11 = tpu.memref_slice %arg2[%add3A, %dma_start3A_10] : memref<832x100000xf32, #tpu.memory_space<hbm>> -> memref<1x100000xf32, #tpu.memory_space<hbm>>
    %dma_start3A_12 = tpu.memref_squeeze %dma_start3A_11 : memref<1x100000xf32, #tpu.memory_space<hbm>> -> memref<100000xf32, #tpu.memory_space<hbm>>
    %dma_start3A_13 = arith.constant 33408 : i32
    %dma_start3A_14 = tpu.memref_slice %dma_start3A_12[%dma_start3A_13] : memref<100000xf32, #tpu.memory_space<hbm>> -> memref<33408xf32, #tpu.memory_space<hbm>>
    %dma_start3A_15 = arith.constant 0 : i32
    %dma_start3A_16 = tpu.memref_slice %arg2[%add3A, %dma_start3A_15] : memref<832x100000xf32, #tpu.memory_space<hbm>> -> memref<1x100000xf32, #tpu.memory_space<hbm>>
    %dma_start3A_17 = tpu.memref_squeeze %dma_start3A_16 : memref<1x100000xf32, #tpu.memory_space<hbm>> -> memref<100000xf32, #tpu.memory_space<hbm>>
    %dma_start3A_18 = arith.constant 33408 : i32
    %dma_start3A_19 = tpu.memref_slice %dma_start3A_17[%dma_start3A_18] : memref<100000xf32, #tpu.memory_space<hbm>> -> memref<33408xf32, #tpu.memory_space<hbm>>
    tpu.enqueue_dma source(%dma_start3A_19 : memref<33408xf32, #tpu.memory_space<hbm>>) target(%arg6 : memref<33408xf32, #tpu.memory_space<vmem>>) target_semaphore(%arg13 : memref<!tpu.dma_semaphore, #tpu.memory_space<semaphore_mem>>)
    %dma_start3A_20 = arith.constant 0 : i32
    %dma_start3A_21 = tpu.memref_slice %arg2[%add3A, %dma_start3A_20] : memref<832x100000xf32, #tpu.memory_space<hbm>> -> memref<1x100000xf32, #tpu.memory_space<hbm>>
    %dma_start3A_22 = tpu.memref_squeeze %dma_start3A_21 : memref<1x100000xf32, #tpu.memory_space<hbm>> -> memref<100000xf32, #tpu.memory_space<hbm>>
    %dma_start3A_23 = arith.constant 66816 : i32
    %dma_start3A_24 = tpu.memref_slice %dma_start3A_22[%dma_start3A_23] : memref<100000xf32, #tpu.memory_space<hbm>> -> memref<33184xf32, #tpu.memory_space<hbm>>
    %dma_start3A_25 = arith.constant 0 : i32
    %dma_start3A_26 = tpu.memref_slice %arg2[%add3A, %dma_start3A_25] : memref<832x100000xf32, #tpu.memory_space<hbm>> -> memref<1x100000xf32, #tpu.memory_space<hbm>>
    %dma_start3A_27 = tpu.memref_squeeze %dma_start3A_26 : memref<1x100000xf32, #tpu.memory_space<hbm>> -> memref<100000xf32, #tpu.memory_space<hbm>>
    %dma_start3A_28 = arith.constant 66816 : i32
    %dma_start3A_29 = tpu.memref_slice %dma_start3A_27[%dma_start3A_28] : memref<100000xf32, #tpu.memory_space<hbm>> -> memref<33184xf32, #tpu.memory_space<hbm>>
    tpu.enqueue_dma source(%dma_start3A_29 : memref<33184xf32, #tpu.memory_space<hbm>>) target(%arg7 : memref<33184xf32, #tpu.memory_space<vmem>>) target_semaphore(%arg14 : memref<!tpu.dma_semaphore, #tpu.memory_space<semaphore_mem>>)
    %run_scoped3A = arith.constant 0 : i32
    "tpu.region"() ({
      %run_scoped3A_50 = tpu.sem_alloc : memref<!tpu.dma_semaphore, #tpu.memory_space<semaphore_mem>>
      %dma_start3A_51 = arith.constant 0 : i32
      %dma_start3A_52 = tpu.memref_slice %arg3[%run_scoped3A, %dma_start3A_51] : memref<26x4096xi32, #tpu.memory_space<hbm>> -> memref<1x4096xi32, #tpu.memory_space<hbm>>
      %dma_start3A_53 = tpu.memref_squeeze %dma_start3A_52 : memref<1x4096xi32, #tpu.memory_space<hbm>> -> memref<4096xi32, #tpu.memory_space<hbm>>
      %dma_start3A_54 = arith.constant 0 : i32
      %dma_start3A_55 = tpu.memref_slice %arg3[%run_scoped3A, %dma_start3A_54] : memref<26x4096xi32, #tpu.memory_space<hbm>> -> memref<1x4096xi32, #tpu.memory_space<hbm>>
      %dma_start3A_56 = tpu.memref_squeeze %dma_start3A_55 : memref<1x4096xi32, #tpu.memory_space<hbm>> -> memref<4096xi32, #tpu.memory_space<hbm>>
      tpu.enqueue_dma source(%dma_start3A_56 : memref<4096xi32, #tpu.memory_space<hbm>>) target(%arg8 : memref<4096xi32, #tpu.memory_space<vmem>>) target_semaphore(%run_scoped3A_50 : memref<!tpu.dma_semaphore, #tpu.memory_space<semaphore_mem>>)
      %dma_wait3A_57 = arith.constant 0 : i32
      %dma_wait3A_58 = tpu.memref_slice %arg3[%run_scoped3A, %dma_wait3A_57] : memref<26x4096xi32, #tpu.memory_space<hbm>> -> memref<1x4096xi32, #tpu.memory_space<hbm>>
      %dma_wait3A_59 = tpu.memref_squeeze %dma_wait3A_58 : memref<1x4096xi32, #tpu.memory_space<hbm>> -> memref<4096xi32, #tpu.memory_space<hbm>>
      %dma_wait3A_60 = arith.constant 0 : i32
      %dma_wait3A_61 = tpu.memref_slice %arg3[%run_scoped3A, %dma_wait3A_60] : memref<26x4096xi32, #tpu.memory_space<hbm>> -> memref<1x4096xi32, #tpu.memory_space<hbm>>
      %dma_wait3A_62 = tpu.memref_squeeze %dma_wait3A_61 : memref<1x4096xi32, #tpu.memory_space<hbm>> -> memref<4096xi32, #tpu.memory_space<hbm>>
      tpu.wait_dma2 semaphore(%run_scoped3A_50 : memref<!tpu.dma_semaphore, #tpu.memory_space<semaphore_mem>>) src(%dma_wait3A_62 : memref<4096xi32, #tpu.memory_space<hbm>>) dst(%arg8 : memref<4096xi32, #tpu.memory_space<vmem>>)
      tpu.yield
    }) : () -> ()
    %scan3A = arith.constant 0 : i32
    %scan3A_30 = arith.constant 0 : i32
    %scan3A_31 = arith.constant 13 : i32
    %scan3A_32 = arith.addi %scan3A_30, %scan3A_31 : i32
    %scan3A_33 = arith.constant 1 : i32
    scf.for %scan3A_50 = %scan3A_30 to %scan3A_32 step %scan3A_33  : i32 {
      %mul3A_51 = arith.constant 2 : i32
      %mul3A_52 = arith.muli %scan3A_50, %mul3A_51 : i32
      %add3A_53 = arith.constant 1 : i32
      %add3A_54 = arith.addi %mul3A_52, %add3A_53 : i32
      %mul3A_55 = arith.constant 32 : i32
      %mul3A_56 = arith.muli %mul3A_52, %mul3A_55 : i32
      %add3A_57 = arith.addi %mul3A_56, %add3A : i32
      %add3A_58 = arith.constant 32 : i32
      %add3A_59 = arith.addi %add3A_57, %add3A_58 : i32
      %gt3A = arith.constant 0 : i32
      %gt3A_60 = arith.cmpi sgt, %scan3A_50, %gt3A : i32
      %convert_element_type3A = arith.extui %gt3A_60 : i1 to i32
      %cond3A = arith.constant 0 : i32
      %cond3A_61 = arith.cmpi ne, %convert_element_type3A, %cond3A : i32
      scf.if %cond3A_61 {
        %dma_wait3A_224 = arith.constant 0 : i32
        %dma_wait3A_225 = tpu.memref_slice %arg4[%add3A_57, %dma_wait3A_224] : memref<832x4096xf32, #tpu.memory_space<hbm>> -> memref<1x4096xf32, #tpu.memory_space<hbm>>
        %dma_wait3A_226 = tpu.memref_squeeze %dma_wait3A_225 : memref<1x4096xf32, #tpu.memory_space<hbm>> -> memref<4096xf32, #tpu.memory_space<hbm>>
        %dma_wait3A_227 = arith.constant 0 : i32
        %dma_wait3A_228 = tpu.memref_slice %arg4[%add3A_57, %dma_wait3A_227] : memref<832x4096xf32, #tpu.memory_space<hbm>> -> memref<1x4096xf32, #tpu.memory_space<hbm>>
        %dma_wait3A_229 = tpu.memref_squeeze %dma_wait3A_228 : memref<1x4096xf32, #tpu.memory_space<hbm>> -> memref<4096xf32, #tpu.memory_space<hbm>>
        tpu.wait_dma2 semaphore(%arg17 : memref<!tpu.dma_semaphore, #tpu.memory_space<semaphore_mem>>) src(%arg10 : memref<4096xf32, #tpu.memory_space<vmem>>) dst(%dma_wait3A_229 : memref<4096xf32, #tpu.memory_space<hbm>>)
      } else {
      }
      %dma_start3A_62 = arith.constant 0 : i32
      %dma_start3A_63 = tpu.memref_slice %arg3[%add3A_54, %dma_start3A_62] : memref<26x4096xi32, #tpu.memory_space<hbm>> -> memref<1x4096xi32, #tpu.memory_space<hbm>>
      %dma_start3A_64 = tpu.memref_squeeze %dma_start3A_63 : memref<1x4096xi32, #tpu.memory_space<hbm>> -> memref<4096xi32, #tpu.memory_space<hbm>>
      %dma_start3A_65 = arith.constant 0 : i32
      %dma_start3A_66 = tpu.memref_slice %arg3[%add3A_54, %dma_start3A_65] : memref<26x4096xi32, #tpu.memory_space<hbm>> -> memref<1x4096xi32, #tpu.memory_space<hbm>>
      %dma_start3A_67 = tpu.memref_squeeze %dma_start3A_66 : memref<1x4096xi32, #tpu.memory_space<hbm>> -> memref<4096xi32, #tpu.memory_space<hbm>>
      tpu.enqueue_dma source(%dma_start3A_67 : memref<4096xi32, #tpu.memory_space<hbm>>) target(%arg9 : memref<4096xi32, #tpu.memory_space<vmem>>) target_semaphore(%arg16 : memref<!tpu.dma_semaphore, #tpu.memory_space<semaphore_mem>>)
      %lt3A = arith.constant 26 : i32
      %lt3A_68 = arith.cmpi slt, %add3A_54, %lt3A : i32
      %dma_wait3A_69 = arith.constant 0 : i32
      %dma_wait3A_70 = tpu.memref_slice %arg2[%add3A_57, %dma_wait3A_69] : memref<832x100000xf32, #tpu.memory_space<hbm>> -> memref<1x100000xf32, #tpu.memory_space<hbm>>
      %dma_wait3A_71 = tpu.memref_squeeze %dma_wait3A_70 : memref<1x100000xf32, #tpu.memory_space<hbm>> -> memref<100000xf32, #tpu.memory_space<hbm>>
      %dma_wait3A_72 = arith.constant 0 : i32
      %dma_wait3A_73 = tpu.memref_slice %dma_wait3A_71[%dma_wait3A_72] : memref<100000xf32, #tpu.memory_space<hbm>> -> memref<33408xf32, #tpu.memory_space<hbm>>
      %dma_wait3A_74 = arith.constant 0 : i32
      %dma_wait3A_75 = tpu.memref_slice %arg2[%add3A_57, %dma_wait3A_74] : memref<832x100000xf32, #tpu.memory_space<hbm>> -> memref<1x100000xf32, #tpu.memory_space<hbm>>
      %dma_wait3A_76 = tpu.memref_squeeze %dma_wait3A_75 : memref<1x100000xf32, #tpu.memory_space<hbm>> -> memref<100000xf32, #tpu.memory_space<hbm>>
      %dma_wait3A_77 = arith.constant 0 : i32
      %dma_wait3A_78 = tpu.memref_slice %dma_wait3A_76[%dma_wait3A_77] : memref<100000xf32, #tpu.memory_space<hbm>> -> memref<33408xf32, #tpu.memory_space<hbm>>
      tpu.wait_dma2 semaphore(%arg12 : memref<!tpu.dma_semaphore, #tpu.memory_space<semaphore_mem>>) src(%dma_wait3A_78 : memref<33408xf32, #tpu.memory_space<hbm>>) dst(%arg5 : memref<33408xf32, #tpu.memory_space<vmem>>)
      %scan3A_79 = arith.constant 0 : i32
      %scan3A_80 = arith.constant 0 : i32
      %scan3A_81 = arith.constant 32 : i32
      %scan3A_82 = arith.addi %scan3A_80, %scan3A_81 : i32
      %scan3A_83 = arith.constant 1 : i32
      scf.for %scan3A_224 = %scan3A_80 to %scan3A_82 step %scan3A_83  : i32 {
        %mul3A_225 = arith.constant 8 : i32
        %mul3A_226 = arith.muli %scan3A_224, %mul3A_225 : i32
        %add3A_227 = arith.constant 0 : i32
        %add3A_228 = arith.addi %mul3A_226, %add3A_227 : i32
        %mul3A_229 = arith.constant 16 : i32
        %mul3A_230 = arith.muli %add3A_228, %mul3A_229 : i32
        %get3A = arith.index_cast %mul3A_230 : i32 to index
        %get3A_231 = tpu.vector_load %arg8[%get3A] {strides = array<i32>} : memref<4096xi32, #tpu.memory_space<vmem>>, vector<16xi32>,
        %lt3A_232 = arith.constant 33408 : i32
        %lt3A_233 = vector.broadcast %lt3A_232 : i32 to vector<16xi32>
        %lt3A_234 = arith.cmpi slt, %get3A_231, %lt3A_233 : vector<16xi32>
        %gather3A = tpu.vector_load_idx %arg5[%get3A_231] masked %lt3A_234 : memref<33408xf32, #tpu.memory_space<vmem>>[vector<16xi32>], vector<16xf32>, vector<16xi1>
        %swap3A = arith.index_cast %mul3A_230 : i32 to index
        %swap3A_235 = tpu.vector_load %arg10[%swap3A] {strides = array<i32>} : memref<4096xf32, #tpu.memory_space<vmem>>, vector<16xf32>,
        tpu.vector_store %arg10[%swap3A], %gather3A {strides = array<i32>} : memref<4096xf32, #tpu.memory_space<vmem>>, vector<16xf32>,
        %mul3A_236 = arith.constant 8 : i32
        %mul3A_237 = arith.muli %scan3A_224, %mul3A_236 : i32
        %add3A_238 = arith.constant 1 : i32
        %add3A_239 = arith.addi %mul3A_237, %add3A_238 : i32
        %mul3A_240 = arith.constant 16 : i32
        %mul3A_241 = arith.muli %add3A_239, %mul3A_240 : i32
        %get3A_242 = arith.index_cast %mul3A_241 : i32 to index
        %get3A_243 = tpu.vector_load %arg8[%get3A_242] {strides = array<i32>} : memref<4096xi32, #tpu.memory_space<vmem>>, vector<16xi32>,
        %lt3A_244 = arith.constant 33408 : i32
        %lt3A_245 = vector.broadcast %lt3A_244 : i32 to vector<16xi32>
        %lt3A_246 = arith.cmpi slt, %get3A_243, %lt3A_245 : vector<16xi32>
        %gather3A_247 = tpu.vector_load_idx %arg5[%get3A_243] masked %lt3A_246 : memref<33408xf32, #tpu.memory_space<vmem>>[vector<16xi32>], vector<16xf32>, vector<16xi1>
        %swap3A_248 = arith.index_cast %mul3A_241 : i32 to index
        %swap3A_249 = tpu.vector_load %arg10[%swap3A_248] {strides = array<i32>} : memref<4096xf32, #tpu.memory_space<vmem>>, vector<16xf32>,
        tpu.vector_store %arg10[%swap3A_248], %gather3A_247 {strides = array<i32>} : memref<4096xf32, #tpu.memory_space<vmem>>, vector<16xf32>,
        %mul3A_250 = arith.constant 8 : i32
        %mul3A_251 = arith.muli %scan3A_224, %mul3A_250 : i32
        %add3A_252 = arith.constant 2 : i32
        %add3A_253 = arith.addi %mul3A_251, %add3A_252 : i32
        %mul3A_254 = arith.constant 16 : i32
        %mul3A_255 = arith.muli %add3A_253, %mul3A_254 : i32
        %get3A_256 = arith.index_cast %mul3A_255 : i32 to index
        %get3A_257 = tpu.vector_load %arg8[%get3A_256] {strides = array<i32>} : memref<4096xi32, #tpu.memory_space<vmem>>, vector<16xi32>,
        %lt3A_258 = arith.constant 33408 : i32
        %lt3A_259 = vector.broadcast %lt3A_258 : i32 to vector<16xi32>
        %lt3A_260 = arith.cmpi slt, %get3A_257, %lt3A_259 : vector<16xi32>
        %gather3A_261 = tpu.vector_load_idx %arg5[%get3A_257] masked %lt3A_260 : memref<33408xf32, #tpu.memory_space<vmem>>[vector<16xi32>], vector<16xf32>, vector<16xi1>
        %swap3A_262 = arith.index_cast %mul3A_255 : i32 to index
        %swap3A_263 = tpu.vector_load %arg10[%swap3A_262] {strides = array<i32>} : memref<4096xf32, #tpu.memory_space<vmem>>, vector<16xf32>,
        tpu.vector_store %arg10[%swap3A_262], %gather3A_261 {strides = array<i32>} : memref<4096xf32, #tpu.memory_space<vmem>>, vector<16xf32>,
        %mul3A_264 = arith.constant 8 : i32
        %mul3A_265 = arith.muli %scan3A_224, %mul3A_264 : i32
        %add3A_266 = arith.constant 3 : i32
        %add3A_267 = arith.addi %mul3A_265, %add3A_266 : i32
        %mul3A_268 = arith.constant 16 : i32
        %mul3A_269 = arith.muli %add3A_267, %mul3A_268 : i32
        %get3A_270 = arith.index_cast %mul3A_269 : i32 to index
        %get3A_271 = tpu.vector_load %arg8[%get3A_270] {strides = array<i32>} : memref<4096xi32, #tpu.memory_space<vmem>>, vector<16xi32>,
        %lt3A_272 = arith.constant 33408 : i32
        %lt3A_273 = vector.broadcast %lt3A_272 : i32 to vector<16xi32>
        %lt3A_274 = arith.cmpi slt, %get3A_271, %lt3A_273 : vector<16xi32>
        %gather3A_275 = tpu.vector_load_idx %arg5[%get3A_271] masked %lt3A_274 : memref<33408xf32, #tpu.memory_space<vmem>>[vector<16xi32>], vector<16xf32>, vector<16xi1>
        %swap3A_276 = arith.index_cast %mul3A_269 : i32 to index
        %swap3A_277 = tpu.vector_load %arg10[%swap3A_276] {strides = array<i32>} : memref<4096xf32, #tpu.memory_space<vmem>>, vector<16xf32>,
        tpu.vector_store %arg10[%swap3A_276], %gather3A_275 {strides = array<i32>} : memref<4096xf32, #tpu.memory_space<vmem>>, vector<16xf32>,
        %mul3A_278 = arith.constant 8 : i32
        %mul3A_279 = arith.muli %scan3A_224, %mul3A_278 : i32
        %add3A_280 = arith.constant 4 : i32
        %add3A_281 = arith.addi %mul3A_279, %add3A_280 : i32
        %mul3A_282 = arith.constant 16 : i32
        %mul3A_283 = arith.muli %add3A_281, %mul3A_282 : i32
        %get3A_284 = arith.index_cast %mul3A_283 : i32 to index
        %get3A_285 = tpu.vector_load %arg8[%get3A_284] {strides = array<i32>} : memref<4096xi32, #tpu.memory_space<vmem>>, vector<16xi32>,
        %lt3A_286 = arith.constant 33408 : i32
        %lt3A_287 = vector.broadcast %lt3A_286 : i32 to vector<16xi32>
        %lt3A_288 = arith.cmpi slt, %get3A_285, %lt3A_287 : vector<16xi32>
        %gather3A_289 = tpu.vector_load_idx %arg5[%get3A_285] masked %lt3A_288 : memref<33408xf32, #tpu.memory_space<vmem>>[vector<16xi32>], vector<16xf32>, vector<16xi1>
        %swap3A_290 = arith.index_cast %mul3A_283 : i32 to index
        %swap3A_291 = tpu.vector_load %arg10[%swap3A_290] {strides = array<i32>} : memref<4096xf32, #tpu.memory_space<vmem>>, vector<16xf32>,
        tpu.vector_store %arg10[%swap3A_290], %gather3A_289 {strides = array<i32>} : memref<4096xf32, #tpu.memory_space<vmem>>, vector<16xf32>,
        %mul3A_292 = arith.constant 8 : i32
        %mul3A_293 = arith.muli %scan3A_224, %mul3A_292 : i32
        %add3A_294 = arith.constant 5 : i32
        %add3A_295 = arith.addi %mul3A_293, %add3A_294 : i32
        %mul3A_296 = arith.constant 16 : i32
        %mul3A_297 = arith.muli %add3A_295, %mul3A_296 : i32
        %get3A_298 = arith.index_cast %mul3A_297 : i32 to index
        %get3A_299 = tpu.vector_load %arg8[%get3A_298] {strides = array<i32>} : memref<4096xi32, #tpu.memory_space<vmem>>, vector<16xi32>,
        %lt3A_300 = arith.constant 33408 : i32
        %lt3A_301 = vector.broadcast %lt3A_300 : i32 to vector<16xi32>
        %lt3A_302 = arith.cmpi slt, %get3A_299, %lt3A_301 : vector<16xi32>
        %gather3A_303 = tpu.vector_load_idx %arg5[%get3A_299] masked %lt3A_302 : memref<33408xf32, #tpu.memory_space<vmem>>[vector<16xi32>], vector<16xf32>, vector<16xi1>
        %swap3A_304 = arith.index_cast %mul3A_297 : i32 to index
        %swap3A_305 = tpu.vector_load %arg10[%swap3A_304] {strides = array<i32>} : memref<4096xf32, #tpu.memory_space<vmem>>, vector<16xf32>,
        tpu.vector_store %arg10[%swap3A_304], %gather3A_303 {strides = array<i32>} : memref<4096xf32, #tpu.memory_space<vmem>>, vector<16xf32>,
        %mul3A_306 = arith.constant 8 : i32
        %mul3A_307 = arith.muli %scan3A_224, %mul3A_306 : i32
        %add3A_308 = arith.constant 6 : i32
        %add3A_309 = arith.addi %mul3A_307, %add3A_308 : i32
        %mul3A_310 = arith.constant 16 : i32
        %mul3A_311 = arith.muli %add3A_309, %mul3A_310 : i32
        %get3A_312 = arith.index_cast %mul3A_311 : i32 to index
        %get3A_313 = tpu.vector_load %arg8[%get3A_312] {strides = array<i32>} : memref<4096xi32, #tpu.memory_space<vmem>>, vector<16xi32>,
        %lt3A_314 = arith.constant 33408 : i32
        %lt3A_315 = vector.broadcast %lt3A_314 : i32 to vector<16xi32>
        %lt3A_316 = arith.cmpi slt, %get3A_313, %lt3A_315 : vector<16xi32>
        %gather3A_317 = tpu.vector_load_idx %arg5[%get3A_313] masked %lt3A_316 : memref<33408xf32, #tpu.memory_space<vmem>>[vector<16xi32>], vector<16xf32>, vector<16xi1>
        %swap3A_318 = arith.index_cast %mul3A_311 : i32 to index
        %swap3A_319 = tpu.vector_load %arg10[%swap3A_318] {strides = array<i32>} : memref<4096xf32, #tpu.memory_space<vmem>>, vector<16xf32>,
        tpu.vector_store %arg10[%swap3A_318], %gather3A_317 {strides = array<i32>} : memref<4096xf32, #tpu.memory_space<vmem>>, vector<16xf32>,
        %mul3A_320 = arith.constant 8 : i32
        %mul3A_321 = arith.muli %scan3A_224, %mul3A_320 : i32
        %add3A_322 = arith.constant 7 : i32
        %add3A_323 = arith.addi %mul3A_321, %add3A_322 : i32
        %mul3A_324 = arith.constant 16 : i32
        %mul3A_325 = arith.muli %add3A_323, %mul3A_324 : i32
        %get3A_326 = arith.index_cast %mul3A_325 : i32 to index
        %get3A_327 = tpu.vector_load %arg8[%get3A_326] {strides = array<i32>} : memref<4096xi32, #tpu.memory_space<vmem>>, vector<16xi32>,
        %lt3A_328 = arith.constant 33408 : i32
        %lt3A_329 = vector.broadcast %lt3A_328 : i32 to vector<16xi32>
        %lt3A_330 = arith.cmpi slt, %get3A_327, %lt3A_329 : vector<16xi32>
        %gather3A_331 = tpu.vector_load_idx %arg5[%get3A_327] masked %lt3A_330 : memref<33408xf32, #tpu.memory_space<vmem>>[vector<16xi32>], vector<16xf32>, vector<16xi1>
        %swap3A_332 = arith.index_cast %mul3A_325 : i32 to index
        %swap3A_333 = tpu.vector_load %arg10[%swap3A_332] {strides = array<i32>} : memref<4096xf32, #tpu.memory_space<vmem>>, vector<16xf32>,
        tpu.vector_store %arg10[%swap3A_332], %gather3A_331 {strides = array<i32>} : memref<4096xf32, #tpu.memory_space<vmem>>, vector<16xf32>,
      }
      %scan3A_84 = arith.constant 32 : i32
      %convert_element_type3A_85 = arith.extui %lt3A_68 : i1 to i32
      %cond3A_86 = arith.constant 0 : i32
      %cond3A_87 = arith.cmpi ne, %convert_element_type3A_85, %cond3A_86 : i32
      scf.if %cond3A_87 {
        %add3A_224 = arith.constant 32 : i32
        %add3A_225 = arith.addi %add3A_57, %add3A_224 : i32
        %dma_start3A_226 = arith.constant 0 : i32
        %dma_start3A_227 = tpu.memref_slice %arg2[%add3A_225, %dma_start3A_226] : memref<832x100000xf32, #tpu.memory_space<hbm>> -> memref<1x100000xf32, #tpu.memory_space<hbm>>
        %dma_start3A_228 = tpu.memref_squeeze %dma_start3A_227 : memref<1x100000xf32, #tpu.memory_space<hbm>> -> memref<100000xf32, #tpu.memory_space<hbm>>
        %dma_start3A_229 = arith.constant 0 : i32
        %dma_start3A_230 = tpu.memref_slice %dma_start3A_228[%dma_start3A_229] : memref<100000xf32, #tpu.memory_space<hbm>> -> memref<33408xf32, #tpu.memory_space<hbm>>
        %dma_start3A_231 = arith.constant 0 : i32
        %dma_start3A_232 = tpu.memref_slice %arg2[%add3A_225, %dma_start3A_231] : memref<832x100000xf32, #tpu.memory_space<hbm>> -> memref<1x100000xf32, #tpu.memory_space<hbm>>
        %dma_start3A_233 = tpu.memref_squeeze %dma_start3A_232 : memref<1x100000xf32, #tpu.memory_space<hbm>> -> memref<100000xf32, #tpu.memory_space<hbm>>
        %dma_start3A_234 = arith.constant 0 : i32
        %dma_start3A_235 = tpu.memref_slice %dma_start3A_233[%dma_start3A_234] : memref<100000xf32, #tpu.memory_space<hbm>> -> memref<33408xf32, #tpu.memory_space<hbm>>
        tpu.enqueue_dma source(%dma_start3A_235 : memref<33408xf32, #tpu.memory_space<hbm>>) target(%arg5 : memref<33408xf32, #tpu.memory_space<vmem>>) target_semaphore(%arg12 : memref<!tpu.dma_semaphore, #tpu.memory_space<semaphore_mem>>)
      } else {
      }
      %dma_wait3A_88 = arith.constant 0 : i32
      %dma_wait3A_89 = tpu.memref_slice %arg2[%add3A_57, %dma_wait3A_88] : memref<832x100000xf32, #tpu.memory_space<hbm>> -> memref<1x100000xf32, #tpu.memory_space<hbm>>
      %dma_wait3A_90 = tpu.memref_squeeze %dma_wait3A_89 : memref<1x100000xf32, #tpu.memory_space<hbm>> -> memref<100000xf32, #tpu.memory_space<hbm>>
      %dma_wait3A_91 = arith.constant 33408 : i32
      %dma_wait3A_92 = tpu.memref_slice %dma_wait3A_90[%dma_wait3A_91] : memref<100000xf32, #tpu.memory_space<hbm>> -> memref<33408xf32, #tpu.memory_space<hbm>>
      %dma_wait3A_93 = arith.constant 0 : i32
      %dma_wait3A_94 = tpu.memref_slice %arg2[%add3A_57, %dma_wait3A_93] : memref<832x100000xf32, #tpu.memory_space<hbm>> -> memref<1x100000xf32, #tpu.memory_space<hbm>>
      %dma_wait3A_95 = tpu.memref_squeeze %dma_wait3A_94 : memref<1x100000xf32, #tpu.memory_space<hbm>> -> memref<100000xf32, #tpu.memory_space<hbm>>
      %dma_wait3A_96 = arith.constant 33408 : i32
      %dma_wait3A_97 = tpu.memref_slice %dma_wait3A_95[%dma_wait3A_96] : memref<100000xf32, #tpu.memory_space<hbm>> -> memref<33408xf32, #tpu.memory_space<hbm>>
      tpu.wait_dma2 semaphore(%arg13 : memref<!tpu.dma_semaphore, #tpu.memory_space<semaphore_mem>>) src(%dma_wait3A_97 : memref<33408xf32, #tpu.memory_space<hbm>>) dst(%arg6 : memref<33408xf32, #tpu.memory_space<vmem>>)
      %scan3A_98 = arith.constant 0 : i32
      %scan3A_99 = arith.constant 0 : i32
      %scan3A_100 = arith.constant 32 : i32
      %scan3A_101 = arith.addi %scan3A_99, %scan3A_100 : i32
      %scan3A_102 = arith.constant 1 : i32
      scf.for %scan3A_224 = %scan3A_99 to %scan3A_101 step %scan3A_102  : i32 {
        %mul3A_225 = arith.constant 8 : i32
        %mul3A_226 = arith.muli %scan3A_224, %mul3A_225 : i32
        %add3A_227 = arith.constant 0 : i32
        %add3A_228 = arith.addi %mul3A_226, %add3A_227 : i32
        %mul3A_229 = arith.constant 16 : i32
        %mul3A_230 = arith.muli %add3A_228, %mul3A_229 : i32
        %get3A = arith.index_cast %mul3A_230 : i32 to index
        %get3A_231 = tpu.vector_load %arg8[%get3A] {strides = array<i32>} : memref<4096xi32, #tpu.memory_space<vmem>>, vector<16xi32>,
        %sub3A = arith.constant 33408 : i32
        %sub3A_232 = vector.broadcast %sub3A : i32 to vector<16xi32>
        %sub3A_233 = arith.subi %get3A_231, %sub3A_232 : vector<16xi32>
        %lt3A_234 = arith.constant 33408 : i32
        %lt3A_235 = vector.broadcast %lt3A_234 : i32 to vector<16xi32>
        %lt3A_236 = arith.cmpi ult, %sub3A_233, %lt3A_235 : vector<16xi32>
        %gather3A = tpu.vector_load_idx %arg6[%sub3A_233] masked %lt3A_236 : memref<33408xf32, #tpu.memory_space<vmem>>[vector<16xi32>], vector<16xf32>, vector<16xi1>
        %get3A_237 = arith.index_cast %mul3A_230 : i32 to index
        %get3A_238 = tpu.vector_load %arg10[%get3A_237] {strides = array<i32>} : memref<4096xf32, #tpu.memory_space<vmem>>, vector<16xf32>,
        %select_n3A = arith.select %lt3A_236, %gather3A, %get3A_238 : vector<16xi1>, vector<16xf32>
        %swap3A = arith.index_cast %mul3A_230 : i32 to index
        %swap3A_239 = tpu.vector_load %arg10[%swap3A] {strides = array<i32>} : memref<4096xf32, #tpu.memory_space<vmem>>, vector<16xf32>,
        tpu.vector_store %arg10[%swap3A], %select_n3A {strides = array<i32>} : memref<4096xf32, #tpu.memory_space<vmem>>, vector<16xf32>,
        %mul3A_240 = arith.constant 8 : i32
        %mul3A_241 = arith.muli %scan3A_224, %mul3A_240 : i32
        %add3A_242 = arith.constant 1 : i32
        %add3A_243 = arith.addi %mul3A_241, %add3A_242 : i32
        %mul3A_244 = arith.constant 16 : i32
        %mul3A_245 = arith.muli %add3A_243, %mul3A_244 : i32
        %get3A_246 = arith.index_cast %mul3A_245 : i32 to index
        %get3A_247 = tpu.vector_load %arg8[%get3A_246] {strides = array<i32>} : memref<4096xi32, #tpu.memory_space<vmem>>, vector<16xi32>,
        %sub3A_248 = arith.constant 33408 : i32
        %sub3A_249 = vector.broadcast %sub3A_248 : i32 to vector<16xi32>
        %sub3A_250 = arith.subi %get3A_247, %sub3A_249 : vector<16xi32>
        %lt3A_251 = arith.constant 33408 : i32
        %lt3A_252 = vector.broadcast %lt3A_251 : i32 to vector<16xi32>
        %lt3A_253 = arith.cmpi ult, %sub3A_250, %lt3A_252 : vector<16xi32>
        %gather3A_254 = tpu.vector_load_idx %arg6[%sub3A_250] masked %lt3A_253 : memref<33408xf32, #tpu.memory_space<vmem>>[vector<16xi32>], vector<16xf32>, vector<16xi1>
        %get3A_255 = arith.index_cast %mul3A_245 : i32 to index
        %get3A_256 = tpu.vector_load %arg10[%get3A_255] {strides = array<i32>} : memref<4096xf32, #tpu.memory_space<vmem>>, vector<16xf32>,
        %select_n3A_257 = arith.select %lt3A_253, %gather3A_254, %get3A_256 : vector<16xi1>, vector<16xf32>
        %swap3A_258 = arith.index_cast %mul3A_245 : i32 to index
        %swap3A_259 = tpu.vector_load %arg10[%swap3A_258] {strides = array<i32>} : memref<4096xf32, #tpu.memory_space<vmem>>, vector<16xf32>,
        tpu.vector_store %arg10[%swap3A_258], %select_n3A_257 {strides = array<i32>} : memref<4096xf32, #tpu.memory_space<vmem>>, vector<16xf32>,
        %mul3A_260 = arith.constant 8 : i32
        %mul3A_261 = arith.muli %scan3A_224, %mul3A_260 : i32
        %add3A_262 = arith.constant 2 : i32
        %add3A_263 = arith.addi %mul3A_261, %add3A_262 : i32
        %mul3A_264 = arith.constant 16 : i32
        %mul3A_265 = arith.muli %add3A_263, %mul3A_264 : i32
        %get3A_266 = arith.index_cast %mul3A_265 : i32 to index
        %get3A_267 = tpu.vector_load %arg8[%get3A_266] {strides = array<i32>} : memref<4096xi32, #tpu.memory_space<vmem>>, vector<16xi32>,
        %sub3A_268 = arith.constant 33408 : i32
        %sub3A_269 = vector.broadcast %sub3A_268 : i32 to vector<16xi32>
        %sub3A_270 = arith.subi %get3A_267, %sub3A_269 : vector<16xi32>
        %lt3A_271 = arith.constant 33408 : i32
        %lt3A_272 = vector.broadcast %lt3A_271 : i32 to vector<16xi32>
        %lt3A_273 = arith.cmpi ult, %sub3A_270, %lt3A_272 : vector<16xi32>
        %gather3A_274 = tpu.vector_load_idx %arg6[%sub3A_270] masked %lt3A_273 : memref<33408xf32, #tpu.memory_space<vmem>>[vector<16xi32>], vector<16xf32>, vector<16xi1>
        %get3A_275 = arith.index_cast %mul3A_265 : i32 to index
        %get3A_276 = tpu.vector_load %arg10[%get3A_275] {strides = array<i32>} : memref<4096xf32, #tpu.memory_space<vmem>>, vector<16xf32>,
        %select_n3A_277 = arith.select %lt3A_273, %gather3A_274, %get3A_276 : vector<16xi1>, vector<16xf32>
        %swap3A_278 = arith.index_cast %mul3A_265 : i32 to index
        %swap3A_279 = tpu.vector_load %arg10[%swap3A_278] {strides = array<i32>} : memref<4096xf32, #tpu.memory_space<vmem>>, vector<16xf32>,
        tpu.vector_store %arg10[%swap3A_278], %select_n3A_277 {strides = array<i32>} : memref<4096xf32, #tpu.memory_space<vmem>>, vector<16xf32>,
        %mul3A_280 = arith.constant 8 : i32
        %mul3A_281 = arith.muli %scan3A_224, %mul3A_280 : i32
        %add3A_282 = arith.constant 3 : i32
        %add3A_283 = arith.addi %mul3A_281, %add3A_282 : i32
        %mul3A_284 = arith.constant 16 : i32
        %mul3A_285 = arith.muli %add3A_283, %mul3A_284 : i32
        %get3A_286 = arith.index_cast %mul3A_285 : i32 to index
        %get3A_287 = tpu.vector_load %arg8[%get3A_286] {strides = array<i32>} : memref<4096xi32, #tpu.memory_space<vmem>>, vector<16xi32>,
        %sub3A_288 = arith.constant 33408 : i32
        %sub3A_289 = vector.broadcast %sub3A_288 : i32 to vector<16xi32>
        %sub3A_290 = arith.subi %get3A_287, %sub3A_289 : vector<16xi32>
        %lt3A_291 = arith.constant 33408 : i32
        %lt3A_292 = vector.broadcast %lt3A_291 : i32 to vector<16xi32>
        %lt3A_293 = arith.cmpi ult, %sub3A_290, %lt3A_292 : vector<16xi32>
        %gather3A_294 = tpu.vector_load_idx %arg6[%sub3A_290] masked %lt3A_293 : memref<33408xf32, #tpu.memory_space<vmem>>[vector<16xi32>], vector<16xf32>, vector<16xi1>
        %get3A_295 = arith.index_cast %mul3A_285 : i32 to index
        %get3A_296 = tpu.vector_load %arg10[%get3A_295] {strides = array<i32>} : memref<4096xf32, #tpu.memory_space<vmem>>, vector<16xf32>,
        %select_n3A_297 = arith.select %lt3A_293, %gather3A_294, %get3A_296 : vector<16xi1>, vector<16xf32>
        %swap3A_298 = arith.index_cast %mul3A_285 : i32 to index
        %swap3A_299 = tpu.vector_load %arg10[%swap3A_298] {strides = array<i32>} : memref<4096xf32, #tpu.memory_space<vmem>>, vector<16xf32>,
        tpu.vector_store %arg10[%swap3A_298], %select_n3A_297 {strides = array<i32>} : memref<4096xf32, #tpu.memory_space<vmem>>, vector<16xf32>,
        %mul3A_300 = arith.constant 8 : i32
        %mul3A_301 = arith.muli %scan3A_224, %mul3A_300 : i32
        %add3A_302 = arith.constant 4 : i32
        %add3A_303 = arith.addi %mul3A_301, %add3A_302 : i32
        %mul3A_304 = arith.constant 16 : i32
        %mul3A_305 = arith.muli %add3A_303, %mul3A_304 : i32
        %get3A_306 = arith.index_cast %mul3A_305 : i32 to index
        %get3A_307 = tpu.vector_load %arg8[%get3A_306] {strides = array<i32>} : memref<4096xi32, #tpu.memory_space<vmem>>, vector<16xi32>,
        %sub3A_308 = arith.constant 33408 : i32
        %sub3A_309 = vector.broadcast %sub3A_308 : i32 to vector<16xi32>
        %sub3A_310 = arith.subi %get3A_307, %sub3A_309 : vector<16xi32>
        %lt3A_311 = arith.constant 33408 : i32
        %lt3A_312 = vector.broadcast %lt3A_311 : i32 to vector<16xi32>
        %lt3A_313 = arith.cmpi ult, %sub3A_310, %lt3A_312 : vector<16xi32>
        %gather3A_314 = tpu.vector_load_idx %arg6[%sub3A_310] masked %lt3A_313 : memref<33408xf32, #tpu.memory_space<vmem>>[vector<16xi32>], vector<16xf32>, vector<16xi1>
        %get3A_315 = arith.index_cast %mul3A_305 : i32 to index
        %get3A_316 = tpu.vector_load %arg10[%get3A_315] {strides = array<i32>} : memref<4096xf32, #tpu.memory_space<vmem>>, vector<16xf32>,
        %select_n3A_317 = arith.select %lt3A_313, %gather3A_314, %get3A_316 : vector<16xi1>, vector<16xf32>
        %swap3A_318 = arith.index_cast %mul3A_305 : i32 to index
        %swap3A_319 = tpu.vector_load %arg10[%swap3A_318] {strides = array<i32>} : memref<4096xf32, #tpu.memory_space<vmem>>, vector<16xf32>,
        tpu.vector_store %arg10[%swap3A_318], %select_n3A_317 {strides = array<i32>} : memref<4096xf32, #tpu.memory_space<vmem>>, vector<16xf32>,
        %mul3A_320 = arith.constant 8 : i32
        %mul3A_321 = arith.muli %scan3A_224, %mul3A_320 : i32
        %add3A_322 = arith.constant 5 : i32
        %add3A_323 = arith.addi %mul3A_321, %add3A_322 : i32
        %mul3A_324 = arith.constant 16 : i32
        %mul3A_325 = arith.muli %add3A_323, %mul3A_324 : i32
        %get3A_326 = arith.index_cast %mul3A_325 : i32 to index
        %get3A_327 = tpu.vector_load %arg8[%get3A_326] {strides = array<i32>} : memref<4096xi32, #tpu.memory_space<vmem>>, vector<16xi32>,
        %sub3A_328 = arith.constant 33408 : i32
        %sub3A_329 = vector.broadcast %sub3A_328 : i32 to vector<16xi32>
        %sub3A_330 = arith.subi %get3A_327, %sub3A_329 : vector<16xi32>
        %lt3A_331 = arith.constant 33408 : i32
        %lt3A_332 = vector.broadcast %lt3A_331 : i32 to vector<16xi32>
        %lt3A_333 = arith.cmpi ult, %sub3A_330, %lt3A_332 : vector<16xi32>
        %gather3A_334 = tpu.vector_load_idx %arg6[%sub3A_330] masked %lt3A_333 : memref<33408xf32, #tpu.memory_space<vmem>>[vector<16xi32>], vector<16xf32>, vector<16xi1>
        %get3A_335 = arith.index_cast %mul3A_325 : i32 to index
        %get3A_336 = tpu.vector_load %arg10[%get3A_335] {strides = array<i32>} : memref<4096xf32, #tpu.memory_space<vmem>>, vector<16xf32>,
        %select_n3A_337 = arith.select %lt3A_333, %gather3A_334, %get3A_336 : vector<16xi1>, vector<16xf32>
        %swap3A_338 = arith.index_cast %mul3A_325 : i32 to index
        %swap3A_339 = tpu.vector_load %arg10[%swap3A_338] {strides = array<i32>} : memref<4096xf32, #tpu.memory_space<vmem>>, vector<16xf32>,
        tpu.vector_store %arg10[%swap3A_338], %select_n3A_337 {strides = array<i32>} : memref<4096xf32, #tpu.memory_space<vmem>>, vector<16xf32>,
        %mul3A_340 = arith.constant 8 : i32
        %mul3A_341 = arith.muli %scan3A_224, %mul3A_340 : i32
        %add3A_342 = arith.constant 6 : i32
        %add3A_343 = arith.addi %mul3A_341, %add3A_342 : i32
        %mul3A_344 = arith.constant 16 : i32
        %mul3A_345 = arith.muli %add3A_343, %mul3A_344 : i32
        %get3A_346 = arith.index_cast %mul3A_345 : i32 to index
        %get3A_347 = tpu.vector_load %arg8[%get3A_346] {strides = array<i32>} : memref<4096xi32, #tpu.memory_space<vmem>>, vector<16xi32>,
        %sub3A_348 = arith.constant 33408 : i32
        %sub3A_349 = vector.broadcast %sub3A_348 : i32 to vector<16xi32>
        %sub3A_350 = arith.subi %get3A_347, %sub3A_349 : vector<16xi32>
        %lt3A_351 = arith.constant 33408 : i32
        %lt3A_352 = vector.broadcast %lt3A_351 : i32 to vector<16xi32>
        %lt3A_353 = arith.cmpi ult, %sub3A_350, %lt3A_352 : vector<16xi32>
        %gather3A_354 = tpu.vector_load_idx %arg6[%sub3A_350] masked %lt3A_353 : memref<33408xf32, #tpu.memory_space<vmem>>[vector<16xi32>], vector<16xf32>, vector<16xi1>
        %get3A_355 = arith.index_cast %mul3A_345 : i32 to index
        %get3A_356 = tpu.vector_load %arg10[%get3A_355] {strides = array<i32>} : memref<4096xf32, #tpu.memory_space<vmem>>, vector<16xf32>,
        %select_n3A_357 = arith.select %lt3A_353, %gather3A_354, %get3A_356 : vector<16xi1>, vector<16xf32>
        %swap3A_358 = arith.index_cast %mul3A_345 : i32 to index
        %swap3A_359 = tpu.vector_load %arg10[%swap3A_358] {strides = array<i32>} : memref<4096xf32, #tpu.memory_space<vmem>>, vector<16xf32>,
        tpu.vector_store %arg10[%swap3A_358], %select_n3A_357 {strides = array<i32>} : memref<4096xf32, #tpu.memory_space<vmem>>, vector<16xf32>,
        %mul3A_360 = arith.constant 8 : i32
        %mul3A_361 = arith.muli %scan3A_224, %mul3A_360 : i32
        %add3A_362 = arith.constant 7 : i32
        %add3A_363 = arith.addi %mul3A_361, %add3A_362 : i32
        %mul3A_364 = arith.constant 16 : i32
        %mul3A_365 = arith.muli %add3A_363, %mul3A_364 : i32
        %get3A_366 = arith.index_cast %mul3A_365 : i32 to index
        %get3A_367 = tpu.vector_load %arg8[%get3A_366] {strides = array<i32>} : memref<4096xi32, #tpu.memory_space<vmem>>, vector<16xi32>,
        %sub3A_368 = arith.constant 33408 : i32
        %sub3A_369 = vector.broadcast %sub3A_368 : i32 to vector<16xi32>
        %sub3A_370 = arith.subi %get3A_367, %sub3A_369 : vector<16xi32>
        %lt3A_371 = arith.constant 33408 : i32
        %lt3A_372 = vector.broadcast %lt3A_371 : i32 to vector<16xi32>
        %lt3A_373 = arith.cmpi ult, %sub3A_370, %lt3A_372 : vector<16xi32>
        %gather3A_374 = tpu.vector_load_idx %arg6[%sub3A_370] masked %lt3A_373 : memref<33408xf32, #tpu.memory_space<vmem>>[vector<16xi32>], vector<16xf32>, vector<16xi1>
        %get3A_375 = arith.index_cast %mul3A_365 : i32 to index
        %get3A_376 = tpu.vector_load %arg10[%get3A_375] {strides = array<i32>} : memref<4096xf32, #tpu.memory_space<vmem>>, vector<16xf32>,
        %select_n3A_377 = arith.select %lt3A_373, %gather3A_374, %get3A_376 : vector<16xi1>, vector<16xf32>
        %swap3A_378 = arith.index_cast %mul3A_365 : i32 to index
        %swap3A_379 = tpu.vector_load %arg10[%swap3A_378] {strides = array<i32>} : memref<4096xf32, #tpu.memory_space<vmem>>, vector<16xf32>,
        tpu.vector_store %arg10[%swap3A_378], %select_n3A_377 {strides = array<i32>} : memref<4096xf32, #tpu.memory_space<vmem>>, vector<16xf32>,
      }
      %scan3A_103 = arith.constant 32 : i32
      %convert_element_type3A_104 = arith.extui %lt3A_68 : i1 to i32
      %cond3A_105 = arith.constant 0 : i32
      %cond3A_106 = arith.cmpi ne, %convert_element_type3A_104, %cond3A_105 : i32
      scf.if %cond3A_106 {
        %add3A_224 = arith.constant 32 : i32
        %add3A_225 = arith.addi %add3A_57, %add3A_224 : i32
        %dma_start3A_226 = arith.constant 0 : i32
        %dma_start3A_227 = tpu.memref_slice %arg2[%add3A_225, %dma_start3A_226] : memref<832x100000xf32, #tpu.memory_space<hbm>> -> memref<1x100000xf32, #tpu.memory_space<hbm>>
        %dma_start3A_228 = tpu.memref_squeeze %dma_start3A_227 : memref<1x100000xf32, #tpu.memory_space<hbm>> -> memref<100000xf32, #tpu.memory_space<hbm>>
        %dma_start3A_229 = arith.constant 33408 : i32
        %dma_start3A_230 = tpu.memref_slice %dma_start3A_228[%dma_start3A_229] : memref<100000xf32, #tpu.memory_space<hbm>> -> memref<33408xf32, #tpu.memory_space<hbm>>
        %dma_start3A_231 = arith.constant 0 : i32
        %dma_start3A_232 = tpu.memref_slice %arg2[%add3A_225, %dma_start3A_231] : memref<832x100000xf32, #tpu.memory_space<hbm>> -> memref<1x100000xf32, #tpu.memory_space<hbm>>
        %dma_start3A_233 = tpu.memref_squeeze %dma_start3A_232 : memref<1x100000xf32, #tpu.memory_space<hbm>> -> memref<100000xf32, #tpu.memory_space<hbm>>
        %dma_start3A_234 = arith.constant 33408 : i32
        %dma_start3A_235 = tpu.memref_slice %dma_start3A_233[%dma_start3A_234] : memref<100000xf32, #tpu.memory_space<hbm>> -> memref<33408xf32, #tpu.memory_space<hbm>>
        tpu.enqueue_dma source(%dma_start3A_235 : memref<33408xf32, #tpu.memory_space<hbm>>) target(%arg6 : memref<33408xf32, #tpu.memory_space<vmem>>) target_semaphore(%arg13 : memref<!tpu.dma_semaphore, #tpu.memory_space<semaphore_mem>>)
      } else {
      }
      %dma_wait3A_107 = arith.constant 0 : i32
      %dma_wait3A_108 = tpu.memref_slice %arg2[%add3A_57, %dma_wait3A_107] : memref<832x100000xf32, #tpu.memory_space<hbm>> -> memref<1x100000xf32, #tpu.memory_space<hbm>>
      %dma_wait3A_109 = tpu.memref_squeeze %dma_wait3A_108 : memref<1x100000xf32, #tpu.memory_space<hbm>> -> memref<100000xf32, #tpu.memory_space<hbm>>
      %dma_wait3A_110 = arith.constant 66816 : i32
      %dma_wait3A_111 = tpu.memref_slice %dma_wait3A_109[%dma_wait3A_110] : memref<100000xf32, #tpu.memory_space<hbm>> -> memref<33184xf32, #tpu.memory_space<hbm>>
      %dma_wait3A_112 = arith.constant 0 : i32
      %dma_wait3A_113 = tpu.memref_slice %arg2[%add3A_57, %dma_wait3A_112] : memref<832x100000xf32, #tpu.memory_space<hbm>> -> memref<1x100000xf32, #tpu.memory_space<hbm>>
      %dma_wait3A_114 = tpu.memref_squeeze %dma_wait3A_113 : memref<1x100000xf32, #tpu.memory_space<hbm>> -> memref<100000xf32, #tpu.memory_space<hbm>>
      %dma_wait3A_115 = arith.constant 66816 : i32
      %dma_wait3A_116 = tpu.memref_slice %dma_wait3A_114[%dma_wait3A_115] : memref<100000xf32, #tpu.memory_space<hbm>> -> memref<33184xf32, #tpu.memory_space<hbm>>
      tpu.wait_dma2 semaphore(%arg14 : memref<!tpu.dma_semaphore, #tpu.memory_space<semaphore_mem>>) src(%dma_wait3A_116 : memref<33184xf32, #tpu.memory_space<hbm>>) dst(%arg7 : memref<33184xf32, #tpu.memory_space<vmem>>)
      %scan3A_117 = arith.constant 0 : i32
      %scan3A_118 = arith.constant 0 : i32
      %scan3A_119 = arith.constant 32 : i32
      %scan3A_120 = arith.addi %scan3A_118, %scan3A_119 : i32
      %scan3A_121 = arith.constant 1 : i32
      scf.for %scan3A_224 = %scan3A_118 to %scan3A_120 step %scan3A_121  : i32 {
        %mul3A_225 = arith.constant 8 : i32
        %mul3A_226 = arith.muli %scan3A_224, %mul3A_225 : i32
        %add3A_227 = arith.constant 0 : i32
        %add3A_228 = arith.addi %mul3A_226, %add3A_227 : i32
        %mul3A_229 = arith.constant 16 : i32
        %mul3A_230 = arith.muli %add3A_228, %mul3A_229 : i32
        %get3A = arith.index_cast %mul3A_230 : i32 to index
        %get3A_231 = tpu.vector_load %arg8[%get3A] {strides = array<i32>} : memref<4096xi32, #tpu.memory_space<vmem>>, vector<16xi32>,
        %sub3A = arith.constant 66816 : i32
        %sub3A_232 = vector.broadcast %sub3A : i32 to vector<16xi32>
        %sub3A_233 = arith.subi %get3A_231, %sub3A_232 : vector<16xi32>
        %ge3A = arith.constant 0 : i32
        %ge3A_234 = vector.broadcast %ge3A : i32 to vector<16xi32>
        %ge3A_235 = arith.cmpi sge, %sub3A_233, %ge3A_234 : vector<16xi32>
        %gather3A = tpu.vector_load_idx %arg7[%sub3A_233] masked %ge3A_235 : memref<33184xf32, #tpu.memory_space<vmem>>[vector<16xi32>], vector<16xf32>, vector<16xi1>
        %get3A_236 = arith.index_cast %mul3A_230 : i32 to index
        %get3A_237 = tpu.vector_load %arg10[%get3A_236] {strides = array<i32>} : memref<4096xf32, #tpu.memory_space<vmem>>, vector<16xf32>,
        %select_n3A = arith.select %ge3A_235, %gather3A, %get3A_237 : vector<16xi1>, vector<16xf32>
        %swap3A = arith.index_cast %mul3A_230 : i32 to index
        %swap3A_238 = tpu.vector_load %arg10[%swap3A] {strides = array<i32>} : memref<4096xf32, #tpu.memory_space<vmem>>, vector<16xf32>,
        tpu.vector_store %arg10[%swap3A], %select_n3A {strides = array<i32>} : memref<4096xf32, #tpu.memory_space<vmem>>, vector<16xf32>,
        %mul3A_239 = arith.constant 8 : i32
        %mul3A_240 = arith.muli %scan3A_224, %mul3A_239 : i32
        %add3A_241 = arith.constant 1 : i32
        %add3A_242 = arith.addi %mul3A_240, %add3A_241 : i32
        %mul3A_243 = arith.constant 16 : i32
        %mul3A_244 = arith.muli %add3A_242, %mul3A_243 : i32
        %get3A_245 = arith.index_cast %mul3A_244 : i32 to index
        %get3A_246 = tpu.vector_load %arg8[%get3A_245] {strides = array<i32>} : memref<4096xi32, #tpu.memory_space<vmem>>, vector<16xi32>,
        %sub3A_247 = arith.constant 66816 : i32
        %sub3A_248 = vector.broadcast %sub3A_247 : i32 to vector<16xi32>
        %sub3A_249 = arith.subi %get3A_246, %sub3A_248 : vector<16xi32>
        %ge3A_250 = arith.constant 0 : i32
        %ge3A_251 = vector.broadcast %ge3A_250 : i32 to vector<16xi32>
        %ge3A_252 = arith.cmpi sge, %sub3A_249, %ge3A_251 : vector<16xi32>
        %gather3A_253 = tpu.vector_load_idx %arg7[%sub3A_249] masked %ge3A_252 : memref<33184xf32, #tpu.memory_space<vmem>>[vector<16xi32>], vector<16xf32>, vector<16xi1>
        %get3A_254 = arith.index_cast %mul3A_244 : i32 to index
        %get3A_255 = tpu.vector_load %arg10[%get3A_254] {strides = array<i32>} : memref<4096xf32, #tpu.memory_space<vmem>>, vector<16xf32>,
        %select_n3A_256 = arith.select %ge3A_252, %gather3A_253, %get3A_255 : vector<16xi1>, vector<16xf32>
        %swap3A_257 = arith.index_cast %mul3A_244 : i32 to index
        %swap3A_258 = tpu.vector_load %arg10[%swap3A_257] {strides = array<i32>} : memref<4096xf32, #tpu.memory_space<vmem>>, vector<16xf32>,
        tpu.vector_store %arg10[%swap3A_257], %select_n3A_256 {strides = array<i32>} : memref<4096xf32, #tpu.memory_space<vmem>>, vector<16xf32>,
        %mul3A_259 = arith.constant 8 : i32
        %mul3A_260 = arith.muli %scan3A_224, %mul3A_259 : i32
        %add3A_261 = arith.constant 2 : i32
        %add3A_262 = arith.addi %mul3A_260, %add3A_261 : i32
        %mul3A_263 = arith.constant 16 : i32
        %mul3A_264 = arith.muli %add3A_262, %mul3A_263 : i32
        %get3A_265 = arith.index_cast %mul3A_264 : i32 to index
        %get3A_266 = tpu.vector_load %arg8[%get3A_265] {strides = array<i32>} : memref<4096xi32, #tpu.memory_space<vmem>>, vector<16xi32>,
        %sub3A_267 = arith.constant 66816 : i32
        %sub3A_268 = vector.broadcast %sub3A_267 : i32 to vector<16xi32>
        %sub3A_269 = arith.subi %get3A_266, %sub3A_268 : vector<16xi32>
        %ge3A_270 = arith.constant 0 : i32
        %ge3A_271 = vector.broadcast %ge3A_270 : i32 to vector<16xi32>
        %ge3A_272 = arith.cmpi sge, %sub3A_269, %ge3A_271 : vector<16xi32>
        %gather3A_273 = tpu.vector_load_idx %arg7[%sub3A_269] masked %ge3A_272 : memref<33184xf32, #tpu.memory_space<vmem>>[vector<16xi32>], vector<16xf32>, vector<16xi1>
        %get3A_274 = arith.index_cast %mul3A_264 : i32 to index
        %get3A_275 = tpu.vector_load %arg10[%get3A_274] {strides = array<i32>} : memref<4096xf32, #tpu.memory_space<vmem>>, vector<16xf32>,
        %select_n3A_276 = arith.select %ge3A_272, %gather3A_273, %get3A_275 : vector<16xi1>, vector<16xf32>
        %swap3A_277 = arith.index_cast %mul3A_264 : i32 to index
        %swap3A_278 = tpu.vector_load %arg10[%swap3A_277] {strides = array<i32>} : memref<4096xf32, #tpu.memory_space<vmem>>, vector<16xf32>,
        tpu.vector_store %arg10[%swap3A_277], %select_n3A_276 {strides = array<i32>} : memref<4096xf32, #tpu.memory_space<vmem>>, vector<16xf32>,
        %mul3A_279 = arith.constant 8 : i32
        %mul3A_280 = arith.muli %scan3A_224, %mul3A_279 : i32
        %add3A_281 = arith.constant 3 : i32
        %add3A_282 = arith.addi %mul3A_280, %add3A_281 : i32
        %mul3A_283 = arith.constant 16 : i32
        %mul3A_284 = arith.muli %add3A_282, %mul3A_283 : i32
        %get3A_285 = arith.index_cast %mul3A_284 : i32 to index
        %get3A_286 = tpu.vector_load %arg8[%get3A_285] {strides = array<i32>} : memref<4096xi32, #tpu.memory_space<vmem>>, vector<16xi32>,
        %sub3A_287 = arith.constant 66816 : i32
        %sub3A_288 = vector.broadcast %sub3A_287 : i32 to vector<16xi32>
        %sub3A_289 = arith.subi %get3A_286, %sub3A_288 : vector<16xi32>
        %ge3A_290 = arith.constant 0 : i32
        %ge3A_291 = vector.broadcast %ge3A_290 : i32 to vector<16xi32>
        %ge3A_292 = arith.cmpi sge, %sub3A_289, %ge3A_291 : vector<16xi32>
        %gather3A_293 = tpu.vector_load_idx %arg7[%sub3A_289] masked %ge3A_292 : memref<33184xf32, #tpu.memory_space<vmem>>[vector<16xi32>], vector<16xf32>, vector<16xi1>
        %get3A_294 = arith.index_cast %mul3A_284 : i32 to index
        %get3A_295 = tpu.vector_load %arg10[%get3A_294] {strides = array<i32>} : memref<4096xf32, #tpu.memory_space<vmem>>, vector<16xf32>,
        %select_n3A_296 = arith.select %ge3A_292, %gather3A_293, %get3A_295 : vector<16xi1>, vector<16xf32>
        %swap3A_297 = arith.index_cast %mul3A_284 : i32 to index
        %swap3A_298 = tpu.vector_load %arg10[%swap3A_297] {strides = array<i32>} : memref<4096xf32, #tpu.memory_space<vmem>>, vector<16xf32>,
        tpu.vector_store %arg10[%swap3A_297], %select_n3A_296 {strides = array<i32>} : memref<4096xf32, #tpu.memory_space<vmem>>, vector<16xf32>,
        %mul3A_299 = arith.constant 8 : i32
        %mul3A_300 = arith.muli %scan3A_224, %mul3A_299 : i32
        %add3A_301 = arith.constant 4 : i32
        %add3A_302 = arith.addi %mul3A_300, %add3A_301 : i32
        %mul3A_303 = arith.constant 16 : i32
        %mul3A_304 = arith.muli %add3A_302, %mul3A_303 : i32
        %get3A_305 = arith.index_cast %mul3A_304 : i32 to index
        %get3A_306 = tpu.vector_load %arg8[%get3A_305] {strides = array<i32>} : memref<4096xi32, #tpu.memory_space<vmem>>, vector<16xi32>,
        %sub3A_307 = arith.constant 66816 : i32
        %sub3A_308 = vector.broadcast %sub3A_307 : i32 to vector<16xi32>
        %sub3A_309 = arith.subi %get3A_306, %sub3A_308 : vector<16xi32>
        %ge3A_310 = arith.constant 0 : i32
        %ge3A_311 = vector.broadcast %ge3A_310 : i32 to vector<16xi32>
        %ge3A_312 = arith.cmpi sge, %sub3A_309, %ge3A_311 : vector<16xi32>
        %gather3A_313 = tpu.vector_load_idx %arg7[%sub3A_309] masked %ge3A_312 : memref<33184xf32, #tpu.memory_space<vmem>>[vector<16xi32>], vector<16xf32>, vector<16xi1>
        %get3A_314 = arith.index_cast %mul3A_304 : i32 to index
        %get3A_315 = tpu.vector_load %arg10[%get3A_314] {strides = array<i32>} : memref<4096xf32, #tpu.memory_space<vmem>>, vector<16xf32>,
        %select_n3A_316 = arith.select %ge3A_312, %gather3A_313, %get3A_315 : vector<16xi1>, vector<16xf32>
        %swap3A_317 = arith.index_cast %mul3A_304 : i32 to index
        %swap3A_318 = tpu.vector_load %arg10[%swap3A_317] {strides = array<i32>} : memref<4096xf32, #tpu.memory_space<vmem>>, vector<16xf32>,
        tpu.vector_store %arg10[%swap3A_317], %select_n3A_316 {strides = array<i32>} : memref<4096xf32, #tpu.memory_space<vmem>>, vector<16xf32>,
        %mul3A_319 = arith.constant 8 : i32
        %mul3A_320 = arith.muli %scan3A_224, %mul3A_319 : i32
        %add3A_321 = arith.constant 5 : i32
        %add3A_322 = arith.addi %mul3A_320, %add3A_321 : i32
        %mul3A_323 = arith.constant 16 : i32
        %mul3A_324 = arith.muli %add3A_322, %mul3A_323 : i32
        %get3A_325 = arith.index_cast %mul3A_324 : i32 to index
        %get3A_326 = tpu.vector_load %arg8[%get3A_325] {strides = array<i32>} : memref<4096xi32, #tpu.memory_space<vmem>>, vector<16xi32>,
        %sub3A_327 = arith.constant 66816 : i32
        %sub3A_328 = vector.broadcast %sub3A_327 : i32 to vector<16xi32>
        %sub3A_329 = arith.subi %get3A_326, %sub3A_328 : vector<16xi32>
        %ge3A_330 = arith.constant 0 : i32
        %ge3A_331 = vector.broadcast %ge3A_330 : i32 to vector<16xi32>
        %ge3A_332 = arith.cmpi sge, %sub3A_329, %ge3A_331 : vector<16xi32>
        %gather3A_333 = tpu.vector_load_idx %arg7[%sub3A_329] masked %ge3A_332 : memref<33184xf32, #tpu.memory_space<vmem>>[vector<16xi32>], vector<16xf32>, vector<16xi1>
        %get3A_334 = arith.index_cast %mul3A_324 : i32 to index
        %get3A_335 = tpu.vector_load %arg10[%get3A_334] {strides = array<i32>} : memref<4096xf32, #tpu.memory_space<vmem>>, vector<16xf32>,
        %select_n3A_336 = arith.select %ge3A_332, %gather3A_333, %get3A_335 : vector<16xi1>, vector<16xf32>
        %swap3A_337 = arith.index_cast %mul3A_324 : i32 to index
        %swap3A_338 = tpu.vector_load %arg10[%swap3A_337] {strides = array<i32>} : memref<4096xf32, #tpu.memory_space<vmem>>, vector<16xf32>,
        tpu.vector_store %arg10[%swap3A_337], %select_n3A_336 {strides = array<i32>} : memref<4096xf32, #tpu.memory_space<vmem>>, vector<16xf32>,
        %mul3A_339 = arith.constant 8 : i32
        %mul3A_340 = arith.muli %scan3A_224, %mul3A_339 : i32
        %add3A_341 = arith.constant 6 : i32
        %add3A_342 = arith.addi %mul3A_340, %add3A_341 : i32
        %mul3A_343 = arith.constant 16 : i32
        %mul3A_344 = arith.muli %add3A_342, %mul3A_343 : i32
        %get3A_345 = arith.index_cast %mul3A_344 : i32 to index
        %get3A_346 = tpu.vector_load %arg8[%get3A_345] {strides = array<i32>} : memref<4096xi32, #tpu.memory_space<vmem>>, vector<16xi32>,
        %sub3A_347 = arith.constant 66816 : i32
        %sub3A_348 = vector.broadcast %sub3A_347 : i32 to vector<16xi32>
        %sub3A_349 = arith.subi %get3A_346, %sub3A_348 : vector<16xi32>
        %ge3A_350 = arith.constant 0 : i32
        %ge3A_351 = vector.broadcast %ge3A_350 : i32 to vector<16xi32>
        %ge3A_352 = arith.cmpi sge, %sub3A_349, %ge3A_351 : vector<16xi32>
        %gather3A_353 = tpu.vector_load_idx %arg7[%sub3A_349] masked %ge3A_352 : memref<33184xf32, #tpu.memory_space<vmem>>[vector<16xi32>], vector<16xf32>, vector<16xi1>
        %get3A_354 = arith.index_cast %mul3A_344 : i32 to index
        %get3A_355 = tpu.vector_load %arg10[%get3A_354] {strides = array<i32>} : memref<4096xf32, #tpu.memory_space<vmem>>, vector<16xf32>,
        %select_n3A_356 = arith.select %ge3A_352, %gather3A_353, %get3A_355 : vector<16xi1>, vector<16xf32>
        %swap3A_357 = arith.index_cast %mul3A_344 : i32 to index
        %swap3A_358 = tpu.vector_load %arg10[%swap3A_357] {strides = array<i32>} : memref<4096xf32, #tpu.memory_space<vmem>>, vector<16xf32>,
        tpu.vector_store %arg10[%swap3A_357], %select_n3A_356 {strides = array<i32>} : memref<4096xf32, #tpu.memory_space<vmem>>, vector<16xf32>,
        %mul3A_359 = arith.constant 8 : i32
        %mul3A_360 = arith.muli %scan3A_224, %mul3A_359 : i32
        %add3A_361 = arith.constant 7 : i32
        %add3A_362 = arith.addi %mul3A_360, %add3A_361 : i32
        %mul3A_363 = arith.constant 16 : i32
        %mul3A_364 = arith.muli %add3A_362, %mul3A_363 : i32
        %get3A_365 = arith.index_cast %mul3A_364 : i32 to index
        %get3A_366 = tpu.vector_load %arg8[%get3A_365] {strides = array<i32>} : memref<4096xi32, #tpu.memory_space<vmem>>, vector<16xi32>,
        %sub3A_367 = arith.constant 66816 : i32
        %sub3A_368 = vector.broadcast %sub3A_367 : i32 to vector<16xi32>
        %sub3A_369 = arith.subi %get3A_366, %sub3A_368 : vector<16xi32>
        %ge3A_370 = arith.constant 0 : i32
        %ge3A_371 = vector.broadcast %ge3A_370 : i32 to vector<16xi32>
        %ge3A_372 = arith.cmpi sge, %sub3A_369, %ge3A_371 : vector<16xi32>
        %gather3A_373 = tpu.vector_load_idx %arg7[%sub3A_369] masked %ge3A_372 : memref<33184xf32, #tpu.memory_space<vmem>>[vector<16xi32>], vector<16xf32>, vector<16xi1>
        %get3A_374 = arith.index_cast %mul3A_364 : i32 to index
        %get3A_375 = tpu.vector_load %arg10[%get3A_374] {strides = array<i32>} : memref<4096xf32, #tpu.memory_space<vmem>>, vector<16xf32>,
        %select_n3A_376 = arith.select %ge3A_372, %gather3A_373, %get3A_375 : vector<16xi1>, vector<16xf32>
        %swap3A_377 = arith.index_cast %mul3A_364 : i32 to index
        %swap3A_378 = tpu.vector_load %arg10[%swap3A_377] {strides = array<i32>} : memref<4096xf32, #tpu.memory_space<vmem>>, vector<16xf32>,
        tpu.vector_store %arg10[%swap3A_377], %select_n3A_376 {strides = array<i32>} : memref<4096xf32, #tpu.memory_space<vmem>>, vector<16xf32>,
      }
      %scan3A_122 = arith.constant 32 : i32
      %convert_element_type3A_123 = arith.extui %lt3A_68 : i1 to i32
      %cond3A_124 = arith.constant 0 : i32
      %cond3A_125 = arith.cmpi ne, %convert_element_type3A_123, %cond3A_124 : i32
      scf.if %cond3A_125 {
        %add3A_224 = arith.constant 32 : i32
        %add3A_225 = arith.addi %add3A_57, %add3A_224 : i32
        %dma_start3A_226 = arith.constant 0 : i32
        %dma_start3A_227 = tpu.memref_slice %arg2[%add3A_225, %dma_start3A_226] : memref<832x100000xf32, #tpu.memory_space<hbm>> -> memref<1x100000xf32, #tpu.memory_space<hbm>>
        %dma_start3A_228 = tpu.memref_squeeze %dma_start3A_227 : memref<1x100000xf32, #tpu.memory_space<hbm>> -> memref<100000xf32, #tpu.memory_space<hbm>>
        %dma_start3A_229 = arith.constant 66816 : i32
        %dma_start3A_230 = tpu.memref_slice %dma_start3A_228[%dma_start3A_229] : memref<100000xf32, #tpu.memory_space<hbm>> -> memref<33184xf32, #tpu.memory_space<hbm>>
        %dma_start3A_231 = arith.constant 0 : i32
        %dma_start3A_232 = tpu.memref_slice %arg2[%add3A_225, %dma_start3A_231] : memref<832x100000xf32, #tpu.memory_space<hbm>> -> memref<1x100000xf32, #tpu.memory_space<hbm>>
        %dma_start3A_233 = tpu.memref_squeeze %dma_start3A_232 : memref<1x100000xf32, #tpu.memory_space<hbm>> -> memref<100000xf32, #tpu.memory_space<hbm>>
        %dma_start3A_234 = arith.constant 66816 : i32
        %dma_start3A_235 = tpu.memref_slice %dma_start3A_233[%dma_start3A_234] : memref<100000xf32, #tpu.memory_space<hbm>> -> memref<33184xf32, #tpu.memory_space<hbm>>
        tpu.enqueue_dma source(%dma_start3A_235 : memref<33184xf32, #tpu.memory_space<hbm>>) target(%arg7 : memref<33184xf32, #tpu.memory_space<vmem>>) target_semaphore(%arg14 : memref<!tpu.dma_semaphore, #tpu.memory_space<semaphore_mem>>)
      } else {
      }
      %dma_start3A_126 = arith.constant 0 : i32
      %dma_start3A_127 = tpu.memref_slice %arg4[%add3A_57, %dma_start3A_126] : memref<832x4096xf32, #tpu.memory_space<hbm>> -> memref<1x4096xf32, #tpu.memory_space<hbm>>
      %dma_start3A_128 = tpu.memref_squeeze %dma_start3A_127 : memref<1x4096xf32, #tpu.memory_space<hbm>> -> memref<4096xf32, #tpu.memory_space<hbm>>
      %dma_start3A_129 = arith.constant 0 : i32
      %dma_start3A_130 = tpu.memref_slice %arg4[%add3A_57, %dma_start3A_129] : memref<832x4096xf32, #tpu.memory_space<hbm>> -> memref<1x4096xf32, #tpu.memory_space<hbm>>
      %dma_start3A_131 = tpu.memref_squeeze %dma_start3A_130 : memref<1x4096xf32, #tpu.memory_space<hbm>> -> memref<4096xf32, #tpu.memory_space<hbm>>
      tpu.enqueue_dma source(%arg10 : memref<4096xf32, #tpu.memory_space<vmem>>) target(%dma_start3A_131 : memref<4096xf32, #tpu.memory_space<hbm>>) target_semaphore(%arg17 : memref<!tpu.dma_semaphore, #tpu.memory_space<semaphore_mem>>)
      %gt3A_132 = arith.constant 0 : i32
      %gt3A_133 = arith.cmpi sgt, %scan3A_50, %gt3A_132 : i32
      %convert_element_type3A_134 = arith.extui %gt3A_133 : i1 to i32
      %cond3A_135 = arith.constant 0 : i32
      %cond3A_136 = arith.cmpi ne, %convert_element_type3A_134, %cond3A_135 : i32
      scf.if %cond3A_136 {
        %dma_wait3A_224 = arith.constant 0 : i32
        %dma_wait3A_225 = tpu.memref_slice %arg4[%add3A_59, %dma_wait3A_224] : memref<832x4096xf32, #tpu.memory_space<hbm>> -> memref<1x4096xf32, #tpu.memory_space<hbm>>
        %dma_wait3A_226 = tpu.memref_squeeze %dma_wait3A_225 : memref<1x4096xf32, #tpu.memory_space<hbm>> -> memref<4096xf32, #tpu.memory_space<hbm>>
        %dma_wait3A_227 = arith.constant 0 : i32
        %dma_wait3A_228 = tpu.memref_slice %arg4[%add3A_59, %dma_wait3A_227] : memref<832x4096xf32, #tpu.memory_space<hbm>> -> memref<1x4096xf32, #tpu.memory_space<hbm>>
        %dma_wait3A_229 = tpu.memref_squeeze %dma_wait3A_228 : memref<1x4096xf32, #tpu.memory_space<hbm>> -> memref<4096xf32, #tpu.memory_space<hbm>>
        tpu.wait_dma2 semaphore(%arg18 : memref<!tpu.dma_semaphore, #tpu.memory_space<semaphore_mem>>) src(%arg11 : memref<4096xf32, #tpu.memory_space<vmem>>) dst(%dma_wait3A_229 : memref<4096xf32, #tpu.memory_space<hbm>>)
      } else {
      }
      %add3A_137 = arith.constant 1 : i32
      %add3A_138 = arith.addi %add3A_54, %add3A_137 : i32
      %lt3A_139 = arith.constant 26 : i32
      %lt3A_140 = arith.cmpi slt, %add3A_138, %lt3A_139 : i32
      %convert_element_type3A_141 = arith.extui %lt3A_140 : i1 to i32
      %cond3A_142 = arith.constant 0 : i32
      %cond3A_143 = arith.cmpi ne, %convert_element_type3A_141, %cond3A_142 : i32
      scf.if %cond3A_143 {
        %add3A_224 = arith.constant 1 : i32
        %add3A_225 = arith.addi %add3A_54, %add3A_224 : i32
        %dma_start3A_226 = arith.constant 0 : i32
        %dma_start3A_227 = tpu.memref_slice %arg3[%add3A_225, %dma_start3A_226] : memref<26x4096xi32, #tpu.memory_space<hbm>> -> memref<1x4096xi32, #tpu.memory_space<hbm>>
        %dma_start3A_228 = tpu.memref_squeeze %dma_start3A_227 : memref<1x4096xi32, #tpu.memory_space<hbm>> -> memref<4096xi32, #tpu.memory_space<hbm>>
        %dma_start3A_229 = arith.constant 0 : i32
        %dma_start3A_230 = tpu.memref_slice %arg3[%add3A_225, %dma_start3A_229] : memref<26x4096xi32, #tpu.memory_space<hbm>> -> memref<1x4096xi32, #tpu.memory_space<hbm>>
        %dma_start3A_231 = tpu.memref_squeeze %dma_start3A_230 : memref<1x4096xi32, #tpu.memory_space<hbm>> -> memref<4096xi32, #tpu.memory_space<hbm>>
        tpu.enqueue_dma source(%dma_start3A_231 : memref<4096xi32, #tpu.memory_space<hbm>>) target(%arg8 : memref<4096xi32, #tpu.memory_space<vmem>>) target_semaphore(%arg15 : memref<!tpu.dma_semaphore, #tpu.memory_space<semaphore_mem>>)
      } else {
      }
      %dma_wait3A_144 = arith.constant 0 : i32
      %dma_wait3A_145 = tpu.memref_slice %arg3[%add3A_54, %dma_wait3A_144] : memref<26x4096xi32, #tpu.memory_space<hbm>> -> memref<1x4096xi32, #tpu.memory_space<hbm>>
      %dma_wait3A_146 = tpu.memref_squeeze %dma_wait3A_145 : memref<1x4096xi32, #tpu.memory_space<hbm>> -> memref<4096xi32, #tpu.memory_space<hbm>>
      %dma_wait3A_147 = arith.constant 0 : i32
      %dma_wait3A_148 = tpu.memref_slice %arg3[%add3A_54, %dma_wait3A_147] : memref<26x4096xi32, #tpu.memory_space<hbm>> -> memref<1x4096xi32, #tpu.memory_space<hbm>>
      %dma_wait3A_149 = tpu.memref_squeeze %dma_wait3A_148 : memref<1x4096xi32, #tpu.memory_space<hbm>> -> memref<4096xi32, #tpu.memory_space<hbm>>
      tpu.wait_dma2 semaphore(%arg16 : memref<!tpu.dma_semaphore, #tpu.memory_space<semaphore_mem>>) src(%dma_wait3A_149 : memref<4096xi32, #tpu.memory_space<hbm>>) dst(%arg9 : memref<4096xi32, #tpu.memory_space<vmem>>)
      %add3A_150 = arith.constant 1 : i32
      %add3A_151 = arith.addi %add3A_54, %add3A_150 : i32
      %lt3A_152 = arith.constant 26 : i32
      %lt3A_153 = arith.cmpi slt, %add3A_151, %lt3A_152 : i32
      %dma_wait3A_154 = arith.constant 0 : i32
      %dma_wait3A_155 = tpu.memref_slice %arg2[%add3A_59, %dma_wait3A_154] : memref<832x100000xf32, #tpu.memory_space<hbm>> -> memref<1x100000xf32, #tpu.memory_space<hbm>>
      %dma_wait3A_156 = tpu.memref_squeeze %dma_wait3A_155 : memref<1x100000xf32, #tpu.memory_space<hbm>> -> memref<100000xf32, #tpu.memory_space<hbm>>
      %dma_wait3A_157 = arith.constant 0 : i32
      %dma_wait3A_158 = tpu.memref_slice %dma_wait3A_156[%dma_wait3A_157] : memref<100000xf32, #tpu.memory_space<hbm>> -> memref<33408xf32, #tpu.memory_space<hbm>>
      %dma_wait3A_159 = arith.constant 0 : i32
      %dma_wait3A_160 = tpu.memref_slice %arg2[%add3A_59, %dma_wait3A_159] : memref<832x100000xf32, #tpu.memory_space<hbm>> -> memref<1x100000xf32, #tpu.memory_space<hbm>>
      %dma_wait3A_161 = tpu.memref_squeeze %dma_wait3A_160 : memref<1x100000xf32, #tpu.memory_space<hbm>> -> memref<100000xf32, #tpu.memory_space<hbm>>
      %dma_wait3A_162 = arith.constant 0 : i32
      %dma_wait3A_163 = tpu.memref_slice %dma_wait3A_161[%dma_wait3A_162] : memref<100000xf32, #tpu.memory_space<hbm>> -> memref<33408xf32, #tpu.memory_space<hbm>>
      tpu.wait_dma2 semaphore(%arg12 : memref<!tpu.dma_semaphore, #tpu.memory_space<semaphore_mem>>) src(%dma_wait3A_163 : memref<33408xf32, #tpu.memory_space<hbm>>) dst(%arg5 : memref<33408xf32, #tpu.memory_space<vmem>>)
      %scan3A_164 = arith.constant 0 : i32
      %scan3A_165 = arith.constant 0 : i32
      %scan3A_166 = arith.constant 32 : i32
      %scan3A_167 = arith.addi %scan3A_165, %scan3A_166 : i32
      %scan3A_168 = arith.constant 1 : i32
      scf.for %scan3A_224 = %scan3A_165 to %scan3A_167 step %scan3A_168  : i32 {
        %mul3A_225 = arith.constant 8 : i32
        %mul3A_226 = arith.muli %scan3A_224, %mul3A_225 : i32
        %add3A_227 = arith.constant 0 : i32
        %add3A_228 = arith.addi %mul3A_226, %add3A_227 : i32
        %mul3A_229 = arith.constant 16 : i32
        %mul3A_230 = arith.muli %add3A_228, %mul3A_229 : i32
        %get3A = arith.index_cast %mul3A_230 : i32 to index
        %get3A_231 = tpu.vector_load %arg9[%get3A] {strides = array<i32>} : memref<4096xi32, #tpu.memory_space<vmem>>, vector<16xi32>,
        %lt3A_232 = arith.constant 33408 : i32
        %lt3A_233 = vector.broadcast %lt3A_232 : i32 to vector<16xi32>
        %lt3A_234 = arith.cmpi slt, %get3A_231, %lt3A_233 : vector<16xi32>
        %gather3A = tpu.vector_load_idx %arg5[%get3A_231] masked %lt3A_234 : memref<33408xf32, #tpu.memory_space<vmem>>[vector<16xi32>], vector<16xf32>, vector<16xi1>
        %swap3A = arith.index_cast %mul3A_230 : i32 to index
        %swap3A_235 = tpu.vector_load %arg11[%swap3A] {strides = array<i32>} : memref<4096xf32, #tpu.memory_space<vmem>>, vector<16xf32>,
        tpu.vector_store %arg11[%swap3A], %gather3A {strides = array<i32>} : memref<4096xf32, #tpu.memory_space<vmem>>, vector<16xf32>,
        %mul3A_236 = arith.constant 8 : i32
        %mul3A_237 = arith.muli %scan3A_224, %mul3A_236 : i32
        %add3A_238 = arith.constant 1 : i32
        %add3A_239 = arith.addi %mul3A_237, %add3A_238 : i32
        %mul3A_240 = arith.constant 16 : i32
        %mul3A_241 = arith.muli %add3A_239, %mul3A_240 : i32
        %get3A_242 = arith.index_cast %mul3A_241 : i32 to index
        %get3A_243 = tpu.vector_load %arg9[%get3A_242] {strides = array<i32>} : memref<4096xi32, #tpu.memory_space<vmem>>, vector<16xi32>,
        %lt3A_244 = arith.constant 33408 : i32
        %lt3A_245 = vector.broadcast %lt3A_244 : i32 to vector<16xi32>
        %lt3A_246 = arith.cmpi slt, %get3A_243, %lt3A_245 : vector<16xi32>
        %gather3A_247 = tpu.vector_load_idx %arg5[%get3A_243] masked %lt3A_246 : memref<33408xf32, #tpu.memory_space<vmem>>[vector<16xi32>], vector<16xf32>, vector<16xi1>
        %swap3A_248 = arith.index_cast %mul3A_241 : i32 to index
        %swap3A_249 = tpu.vector_load %arg11[%swap3A_248] {strides = array<i32>} : memref<4096xf32, #tpu.memory_space<vmem>>, vector<16xf32>,
        tpu.vector_store %arg11[%swap3A_248], %gather3A_247 {strides = array<i32>} : memref<4096xf32, #tpu.memory_space<vmem>>, vector<16xf32>,
        %mul3A_250 = arith.constant 8 : i32
        %mul3A_251 = arith.muli %scan3A_224, %mul3A_250 : i32
        %add3A_252 = arith.constant 2 : i32
        %add3A_253 = arith.addi %mul3A_251, %add3A_252 : i32
        %mul3A_254 = arith.constant 16 : i32
        %mul3A_255 = arith.muli %add3A_253, %mul3A_254 : i32
        %get3A_256 = arith.index_cast %mul3A_255 : i32 to index
        %get3A_257 = tpu.vector_load %arg9[%get3A_256] {strides = array<i32>} : memref<4096xi32, #tpu.memory_space<vmem>>, vector<16xi32>,
        %lt3A_258 = arith.constant 33408 : i32
        %lt3A_259 = vector.broadcast %lt3A_258 : i32 to vector<16xi32>
        %lt3A_260 = arith.cmpi slt, %get3A_257, %lt3A_259 : vector<16xi32>
        %gather3A_261 = tpu.vector_load_idx %arg5[%get3A_257] masked %lt3A_260 : memref<33408xf32, #tpu.memory_space<vmem>>[vector<16xi32>], vector<16xf32>, vector<16xi1>
        %swap3A_262 = arith.index_cast %mul3A_255 : i32 to index
        %swap3A_263 = tpu.vector_load %arg11[%swap3A_262] {strides = array<i32>} : memref<4096xf32, #tpu.memory_space<vmem>>, vector<16xf32>,
        tpu.vector_store %arg11[%swap3A_262], %gather3A_261 {strides = array<i32>} : memref<4096xf32, #tpu.memory_space<vmem>>, vector<16xf32>,
        %mul3A_264 = arith.constant 8 : i32
        %mul3A_265 = arith.muli %scan3A_224, %mul3A_264 : i32
        %add3A_266 = arith.constant 3 : i32
        %add3A_267 = arith.addi %mul3A_265, %add3A_266 : i32
        %mul3A_268 = arith.constant 16 : i32
        %mul3A_269 = arith.muli %add3A_267, %mul3A_268 : i32
        %get3A_270 = arith.index_cast %mul3A_269 : i32 to index
        %get3A_271 = tpu.vector_load %arg9[%get3A_270] {strides = array<i32>} : memref<4096xi32, #tpu.memory_space<vmem>>, vector<16xi32>,
        %lt3A_272 = arith.constant 33408 : i32
        %lt3A_273 = vector.broadcast %lt3A_272 : i32 to vector<16xi32>
        %lt3A_274 = arith.cmpi slt, %get3A_271, %lt3A_273 : vector<16xi32>
        %gather3A_275 = tpu.vector_load_idx %arg5[%get3A_271] masked %lt3A_274 : memref<33408xf32, #tpu.memory_space<vmem>>[vector<16xi32>], vector<16xf32>, vector<16xi1>
        %swap3A_276 = arith.index_cast %mul3A_269 : i32 to index
        %swap3A_277 = tpu.vector_load %arg11[%swap3A_276] {strides = array<i32>} : memref<4096xf32, #tpu.memory_space<vmem>>, vector<16xf32>,
        tpu.vector_store %arg11[%swap3A_276], %gather3A_275 {strides = array<i32>} : memref<4096xf32, #tpu.memory_space<vmem>>, vector<16xf32>,
        %mul3A_278 = arith.constant 8 : i32
        %mul3A_279 = arith.muli %scan3A_224, %mul3A_278 : i32
        %add3A_280 = arith.constant 4 : i32
        %add3A_281 = arith.addi %mul3A_279, %add3A_280 : i32
        %mul3A_282 = arith.constant 16 : i32
        %mul3A_283 = arith.muli %add3A_281, %mul3A_282 : i32
        %get3A_284 = arith.index_cast %mul3A_283 : i32 to index
        %get3A_285 = tpu.vector_load %arg9[%get3A_284] {strides = array<i32>} : memref<4096xi32, #tpu.memory_space<vmem>>, vector<16xi32>,
        %lt3A_286 = arith.constant 33408 : i32
        %lt3A_287 = vector.broadcast %lt3A_286 : i32 to vector<16xi32>
        %lt3A_288 = arith.cmpi slt, %get3A_285, %lt3A_287 : vector<16xi32>
        %gather3A_289 = tpu.vector_load_idx %arg5[%get3A_285] masked %lt3A_288 : memref<33408xf32, #tpu.memory_space<vmem>>[vector<16xi32>], vector<16xf32>, vector<16xi1>
        %swap3A_290 = arith.index_cast %mul3A_283 : i32 to index
        %swap3A_291 = tpu.vector_load %arg11[%swap3A_290] {strides = array<i32>} : memref<4096xf32, #tpu.memory_space<vmem>>, vector<16xf32>,
        tpu.vector_store %arg11[%swap3A_290], %gather3A_289 {strides = array<i32>} : memref<4096xf32, #tpu.memory_space<vmem>>, vector<16xf32>,
        %mul3A_292 = arith.constant 8 : i32
        %mul3A_293 = arith.muli %scan3A_224, %mul3A_292 : i32
        %add3A_294 = arith.constant 5 : i32
        %add3A_295 = arith.addi %mul3A_293, %add3A_294 : i32
        %mul3A_296 = arith.constant 16 : i32
        %mul3A_297 = arith.muli %add3A_295, %mul3A_296 : i32
        %get3A_298 = arith.index_cast %mul3A_297 : i32 to index
        %get3A_299 = tpu.vector_load %arg9[%get3A_298] {strides = array<i32>} : memref<4096xi32, #tpu.memory_space<vmem>>, vector<16xi32>,
        %lt3A_300 = arith.constant 33408 : i32
        %lt3A_301 = vector.broadcast %lt3A_300 : i32 to vector<16xi32>
        %lt3A_302 = arith.cmpi slt, %get3A_299, %lt3A_301 : vector<16xi32>
        %gather3A_303 = tpu.vector_load_idx %arg5[%get3A_299] masked %lt3A_302 : memref<33408xf32, #tpu.memory_space<vmem>>[vector<16xi32>], vector<16xf32>, vector<16xi1>
        %swap3A_304 = arith.index_cast %mul3A_297 : i32 to index
        %swap3A_305 = tpu.vector_load %arg11[%swap3A_304] {strides = array<i32>} : memref<4096xf32, #tpu.memory_space<vmem>>, vector<16xf32>,
        tpu.vector_store %arg11[%swap3A_304], %gather3A_303 {strides = array<i32>} : memref<4096xf32, #tpu.memory_space<vmem>>, vector<16xf32>,
        %mul3A_306 = arith.constant 8 : i32
        %mul3A_307 = arith.muli %scan3A_224, %mul3A_306 : i32
        %add3A_308 = arith.constant 6 : i32
        %add3A_309 = arith.addi %mul3A_307, %add3A_308 : i32
        %mul3A_310 = arith.constant 16 : i32
        %mul3A_311 = arith.muli %add3A_309, %mul3A_310 : i32
        %get3A_312 = arith.index_cast %mul3A_311 : i32 to index
        %get3A_313 = tpu.vector_load %arg9[%get3A_312] {strides = array<i32>} : memref<4096xi32, #tpu.memory_space<vmem>>, vector<16xi32>,
        %lt3A_314 = arith.constant 33408 : i32
        %lt3A_315 = vector.broadcast %lt3A_314 : i32 to vector<16xi32>
        %lt3A_316 = arith.cmpi slt, %get3A_313, %lt3A_315 : vector<16xi32>
        %gather3A_317 = tpu.vector_load_idx %arg5[%get3A_313] masked %lt3A_316 : memref<33408xf32, #tpu.memory_space<vmem>>[vector<16xi32>], vector<16xf32>, vector<16xi1>
        %swap3A_318 = arith.index_cast %mul3A_311 : i32 to index
        %swap3A_319 = tpu.vector_load %arg11[%swap3A_318] {strides = array<i32>} : memref<4096xf32, #tpu.memory_space<vmem>>, vector<16xf32>,
        tpu.vector_store %arg11[%swap3A_318], %gather3A_317 {strides = array<i32>} : memref<4096xf32, #tpu.memory_space<vmem>>, vector<16xf32>,
        %mul3A_320 = arith.constant 8 : i32
        %mul3A_321 = arith.muli %scan3A_224, %mul3A_320 : i32
        %add3A_322 = arith.constant 7 : i32
        %add3A_323 = arith.addi %mul3A_321, %add3A_322 : i32
        %mul3A_324 = arith.constant 16 : i32
        %mul3A_325 = arith.muli %add3A_323, %mul3A_324 : i32
        %get3A_326 = arith.index_cast %mul3A_325 : i32 to index
        %get3A_327 = tpu.vector_load %arg9[%get3A_326] {strides = array<i32>} : memref<4096xi32, #tpu.memory_space<vmem>>, vector<16xi32>,
        %lt3A_328 = arith.constant 33408 : i32
        %lt3A_329 = vector.broadcast %lt3A_328 : i32 to vector<16xi32>
        %lt3A_330 = arith.cmpi slt, %get3A_327, %lt3A_329 : vector<16xi32>
        %gather3A_331 = tpu.vector_load_idx %arg5[%get3A_327] masked %lt3A_330 : memref<33408xf32, #tpu.memory_space<vmem>>[vector<16xi32>], vector<16xf32>, vector<16xi1>
        %swap3A_332 = arith.index_cast %mul3A_325 : i32 to index
        %swap3A_333 = tpu.vector_load %arg11[%swap3A_332] {strides = array<i32>} : memref<4096xf32, #tpu.memory_space<vmem>>, vector<16xf32>,
        tpu.vector_store %arg11[%swap3A_332], %gather3A_331 {strides = array<i32>} : memref<4096xf32, #tpu.memory_space<vmem>>, vector<16xf32>,
      }
      %scan3A_169 = arith.constant 32 : i32
      %convert_element_type3A_170 = arith.extui %lt3A_153 : i1 to i32
      %cond3A_171 = arith.constant 0 : i32
      %cond3A_172 = arith.cmpi ne, %convert_element_type3A_170, %cond3A_171 : i32
      scf.if %cond3A_172 {
        %add3A_224 = arith.constant 32 : i32
        %add3A_225 = arith.addi %add3A_59, %add3A_224 : i32
        %dma_start3A_226 = arith.constant 0 : i32
        %dma_start3A_227 = tpu.memref_slice %arg2[%add3A_225, %dma_start3A_226] : memref<832x100000xf32, #tpu.memory_space<hbm>> -> memref<1x100000xf32, #tpu.memory_space<hbm>>
        %dma_start3A_228 = tpu.memref_squeeze %dma_start3A_227 : memref<1x100000xf32, #tpu.memory_space<hbm>> -> memref<100000xf32, #tpu.memory_space<hbm>>
        %dma_start3A_229 = arith.constant 0 : i32
        %dma_start3A_230 = tpu.memref_slice %dma_start3A_228[%dma_start3A_229] : memref<100000xf32, #tpu.memory_space<hbm>> -> memref<33408xf32, #tpu.memory_space<hbm>>
        %dma_start3A_231 = arith.constant 0 : i32
        %dma_start3A_232 = tpu.memref_slice %arg2[%add3A_225, %dma_start3A_231] : memref<832x100000xf32, #tpu.memory_space<hbm>> -> memref<1x100000xf32, #tpu.memory_space<hbm>>
        %dma_start3A_233 = tpu.memref_squeeze %dma_start3A_232 : memref<1x100000xf32, #tpu.memory_space<hbm>> -> memref<100000xf32, #tpu.memory_space<hbm>>
        %dma_start3A_234 = arith.constant 0 : i32
        %dma_start3A_235 = tpu.memref_slice %dma_start3A_233[%dma_start3A_234] : memref<100000xf32, #tpu.memory_space<hbm>> -> memref<33408xf32, #tpu.memory_space<hbm>>
        tpu.enqueue_dma source(%dma_start3A_235 : memref<33408xf32, #tpu.memory_space<hbm>>) target(%arg5 : memref<33408xf32, #tpu.memory_space<vmem>>) target_semaphore(%arg12 : memref<!tpu.dma_semaphore, #tpu.memory_space<semaphore_mem>>)
      } else {
      }
      %dma_wait3A_173 = arith.constant 0 : i32
      %dma_wait3A_174 = tpu.memref_slice %arg2[%add3A_59, %dma_wait3A_173] : memref<832x100000xf32, #tpu.memory_space<hbm>> -> memref<1x100000xf32, #tpu.memory_space<hbm>>
      %dma_wait3A_175 = tpu.memref_squeeze %dma_wait3A_174 : memref<1x100000xf32, #tpu.memory_space<hbm>> -> memref<100000xf32, #tpu.memory_space<hbm>>
      %dma_wait3A_176 = arith.constant 33408 : i32
      %dma_wait3A_177 = tpu.memref_slice %dma_wait3A_175[%dma_wait3A_176] : memref<100000xf32, #tpu.memory_space<hbm>> -> memref<33408xf32, #tpu.memory_space<hbm>>
      %dma_wait3A_178 = arith.constant 0 : i32
      %dma_wait3A_179 = tpu.memref_slice %arg2[%add3A_59, %dma_wait3A_178] : memref<832x100000xf32, #tpu.memory_space<hbm>> -> memref<1x100000xf32, #tpu.memory_space<hbm>>
      %dma_wait3A_180 = tpu.memref_squeeze %dma_wait3A_179 : memref<1x100000xf32, #tpu.memory_space<hbm>> -> memref<100000xf32, #tpu.memory_space<hbm>>
      %dma_wait3A_181 = arith.constant 33408 : i32
      %dma_wait3A_182 = tpu.memref_slice %dma_wait3A_180[%dma_wait3A_181] : memref<100000xf32, #tpu.memory_space<hbm>> -> memref<33408xf32, #tpu.memory_space<hbm>>
      tpu.wait_dma2 semaphore(%arg13 : memref<!tpu.dma_semaphore, #tpu.memory_space<semaphore_mem>>) src(%dma_wait3A_182 : memref<33408xf32, #tpu.memory_space<hbm>>) dst(%arg6 : memref<33408xf32, #tpu.memory_space<vmem>>)
      %scan3A_183 = arith.constant 0 : i32
      %scan3A_184 = arith.constant 0 : i32
      %scan3A_185 = arith.constant 32 : i32
      %scan3A_186 = arith.addi %scan3A_184, %scan3A_185 : i32
      %scan3A_187 = arith.constant 1 : i32
      scf.for %scan3A_224 = %scan3A_184 to %scan3A_186 step %scan3A_187  : i32 {
        %mul3A_225 = arith.constant 8 : i32
        %mul3A_226 = arith.muli %scan3A_224, %mul3A_225 : i32
        %add3A_227 = arith.constant 0 : i32
        %add3A_228 = arith.addi %mul3A_226, %add3A_227 : i32
        %mul3A_229 = arith.constant 16 : i32
        %mul3A_230 = arith.muli %add3A_228, %mul3A_229 : i32
        %get3A = arith.index_cast %mul3A_230 : i32 to index
        %get3A_231 = tpu.vector_load %arg9[%get3A] {strides = array<i32>} : memref<4096xi32, #tpu.memory_space<vmem>>, vector<16xi32>,
        %sub3A = arith.constant 33408 : i32
        %sub3A_232 = vector.broadcast %sub3A : i32 to vector<16xi32>
        %sub3A_233 = arith.subi %get3A_231, %sub3A_232 : vector<16xi32>
        %lt3A_234 = arith.constant 33408 : i32
        %lt3A_235 = vector.broadcast %lt3A_234 : i32 to vector<16xi32>
        %lt3A_236 = arith.cmpi ult, %sub3A_233, %lt3A_235 : vector<16xi32>
        %gather3A = tpu.vector_load_idx %arg6[%sub3A_233] masked %lt3A_236 : memref<33408xf32, #tpu.memory_space<vmem>>[vector<16xi32>], vector<16xf32>, vector<16xi1>
        %get3A_237 = arith.index_cast %mul3A_230 : i32 to index
        %get3A_238 = tpu.vector_load %arg11[%get3A_237] {strides = array<i32>} : memref<4096xf32, #tpu.memory_space<vmem>>, vector<16xf32>,
        %select_n3A = arith.select %lt3A_236, %gather3A, %get3A_238 : vector<16xi1>, vector<16xf32>
        %swap3A = arith.index_cast %mul3A_230 : i32 to index
        %swap3A_239 = tpu.vector_load %arg11[%swap3A] {strides = array<i32>} : memref<4096xf32, #tpu.memory_space<vmem>>, vector<16xf32>,
        tpu.vector_store %arg11[%swap3A], %select_n3A {strides = array<i32>} : memref<4096xf32, #tpu.memory_space<vmem>>, vector<16xf32>,
        %mul3A_240 = arith.constant 8 : i32
        %mul3A_241 = arith.muli %scan3A_224, %mul3A_240 : i32
        %add3A_242 = arith.constant 1 : i32
        %add3A_243 = arith.addi %mul3A_241, %add3A_242 : i32
        %mul3A_244 = arith.constant 16 : i32
        %mul3A_245 = arith.muli %add3A_243, %mul3A_244 : i32
        %get3A_246 = arith.index_cast %mul3A_245 : i32 to index
        %get3A_247 = tpu.vector_load %arg9[%get3A_246] {strides = array<i32>} : memref<4096xi32, #tpu.memory_space<vmem>>, vector<16xi32>,
        %sub3A_248 = arith.constant 33408 : i32
        %sub3A_249 = vector.broadcast %sub3A_248 : i32 to vector<16xi32>
        %sub3A_250 = arith.subi %get3A_247, %sub3A_249 : vector<16xi32>
        %lt3A_251 = arith.constant 33408 : i32
        %lt3A_252 = vector.broadcast %lt3A_251 : i32 to vector<16xi32>
        %lt3A_253 = arith.cmpi ult, %sub3A_250, %lt3A_252 : vector<16xi32>
        %gather3A_254 = tpu.vector_load_idx %arg6[%sub3A_250] masked %lt3A_253 : memref<33408xf32, #tpu.memory_space<vmem>>[vector<16xi32>], vector<16xf32>, vector<16xi1>
        %get3A_255 = arith.index_cast %mul3A_245 : i32 to index
        %get3A_256 = tpu.vector_load %arg11[%get3A_255] {strides = array<i32>} : memref<4096xf32, #tpu.memory_space<vmem>>, vector<16xf32>,
        %select_n3A_257 = arith.select %lt3A_253, %gather3A_254, %get3A_256 : vector<16xi1>, vector<16xf32>
        %swap3A_258 = arith.index_cast %mul3A_245 : i32 to index
        %swap3A_259 = tpu.vector_load %arg11[%swap3A_258] {strides = array<i32>} : memref<4096xf32, #tpu.memory_space<vmem>>, vector<16xf32>,
        tpu.vector_store %arg11[%swap3A_258], %select_n3A_257 {strides = array<i32>} : memref<4096xf32, #tpu.memory_space<vmem>>, vector<16xf32>,
        %mul3A_260 = arith.constant 8 : i32
        %mul3A_261 = arith.muli %scan3A_224, %mul3A_260 : i32
        %add3A_262 = arith.constant 2 : i32
        %add3A_263 = arith.addi %mul3A_261, %add3A_262 : i32
        %mul3A_264 = arith.constant 16 : i32
        %mul3A_265 = arith.muli %add3A_263, %mul3A_264 : i32
        %get3A_266 = arith.index_cast %mul3A_265 : i32 to index
        %get3A_267 = tpu.vector_load %arg9[%get3A_266] {strides = array<i32>} : memref<4096xi32, #tpu.memory_space<vmem>>, vector<16xi32>,
        %sub3A_268 = arith.constant 33408 : i32
        %sub3A_269 = vector.broadcast %sub3A_268 : i32 to vector<16xi32>
        %sub3A_270 = arith.subi %get3A_267, %sub3A_269 : vector<16xi32>
        %lt3A_271 = arith.constant 33408 : i32
        %lt3A_272 = vector.broadcast %lt3A_271 : i32 to vector<16xi32>
        %lt3A_273 = arith.cmpi ult, %sub3A_270, %lt3A_272 : vector<16xi32>
        %gather3A_274 = tpu.vector_load_idx %arg6[%sub3A_270] masked %lt3A_273 : memref<33408xf32, #tpu.memory_space<vmem>>[vector<16xi32>], vector<16xf32>, vector<16xi1>
        %get3A_275 = arith.index_cast %mul3A_265 : i32 to index
        %get3A_276 = tpu.vector_load %arg11[%get3A_275] {strides = array<i32>} : memref<4096xf32, #tpu.memory_space<vmem>>, vector<16xf32>,
        %select_n3A_277 = arith.select %lt3A_273, %gather3A_274, %get3A_276 : vector<16xi1>, vector<16xf32>
        %swap3A_278 = arith.index_cast %mul3A_265 : i32 to index
        %swap3A_279 = tpu.vector_load %arg11[%swap3A_278] {strides = array<i32>} : memref<4096xf32, #tpu.memory_space<vmem>>, vector<16xf32>,
        tpu.vector_store %arg11[%swap3A_278], %select_n3A_277 {strides = array<i32>} : memref<4096xf32, #tpu.memory_space<vmem>>, vector<16xf32>,
        %mul3A_280 = arith.constant 8 : i32
        %mul3A_281 = arith.muli %scan3A_224, %mul3A_280 : i32
        %add3A_282 = arith.constant 3 : i32
        %add3A_283 = arith.addi %mul3A_281, %add3A_282 : i32
        %mul3A_284 = arith.constant 16 : i32
        %mul3A_285 = arith.muli %add3A_283, %mul3A_284 : i32
        %get3A_286 = arith.index_cast %mul3A_285 : i32 to index
        %get3A_287 = tpu.vector_load %arg9[%get3A_286] {strides = array<i32>} : memref<4096xi32, #tpu.memory_space<vmem>>, vector<16xi32>,
        %sub3A_288 = arith.constant 33408 : i32
        %sub3A_289 = vector.broadcast %sub3A_288 : i32 to vector<16xi32>
        %sub3A_290 = arith.subi %get3A_287, %sub3A_289 : vector<16xi32>
        %lt3A_291 = arith.constant 33408 : i32
        %lt3A_292 = vector.broadcast %lt3A_291 : i32 to vector<16xi32>
        %lt3A_293 = arith.cmpi ult, %sub3A_290, %lt3A_292 : vector<16xi32>
        %gather3A_294 = tpu.vector_load_idx %arg6[%sub3A_290] masked %lt3A_293 : memref<33408xf32, #tpu.memory_space<vmem>>[vector<16xi32>], vector<16xf32>, vector<16xi1>
        %get3A_295 = arith.index_cast %mul3A_285 : i32 to index
        %get3A_296 = tpu.vector_load %arg11[%get3A_295] {strides = array<i32>} : memref<4096xf32, #tpu.memory_space<vmem>>, vector<16xf32>,
        %select_n3A_297 = arith.select %lt3A_293, %gather3A_294, %get3A_296 : vector<16xi1>, vector<16xf32>
        %swap3A_298 = arith.index_cast %mul3A_285 : i32 to index
        %swap3A_299 = tpu.vector_load %arg11[%swap3A_298] {strides = array<i32>} : memref<4096xf32, #tpu.memory_space<vmem>>, vector<16xf32>,
        tpu.vector_store %arg11[%swap3A_298], %select_n3A_297 {strides = array<i32>} : memref<4096xf32, #tpu.memory_space<vmem>>, vector<16xf32>,
        %mul3A_300 = arith.constant 8 : i32
        %mul3A_301 = arith.muli %scan3A_224, %mul3A_300 : i32
        %add3A_302 = arith.constant 4 : i32
        %add3A_303 = arith.addi %mul3A_301, %add3A_302 : i32
        %mul3A_304 = arith.constant 16 : i32
        %mul3A_305 = arith.muli %add3A_303, %mul3A_304 : i32
        %get3A_306 = arith.index_cast %mul3A_305 : i32 to index
        %get3A_307 = tpu.vector_load %arg9[%get3A_306] {strides = array<i32>} : memref<4096xi32, #tpu.memory_space<vmem>>, vector<16xi32>,
        %sub3A_308 = arith.constant 33408 : i32
        %sub3A_309 = vector.broadcast %sub3A_308 : i32 to vector<16xi32>
        %sub3A_310 = arith.subi %get3A_307, %sub3A_309 : vector<16xi32>
        %lt3A_311 = arith.constant 33408 : i32
        %lt3A_312 = vector.broadcast %lt3A_311 : i32 to vector<16xi32>
        %lt3A_313 = arith.cmpi ult, %sub3A_310, %lt3A_312 : vector<16xi32>
        %gather3A_314 = tpu.vector_load_idx %arg6[%sub3A_310] masked %lt3A_313 : memref<33408xf32, #tpu.memory_space<vmem>>[vector<16xi32>], vector<16xf32>, vector<16xi1>
        %get3A_315 = arith.index_cast %mul3A_305 : i32 to index
        %get3A_316 = tpu.vector_load %arg11[%get3A_315] {strides = array<i32>} : memref<4096xf32, #tpu.memory_space<vmem>>, vector<16xf32>,
        %select_n3A_317 = arith.select %lt3A_313, %gather3A_314, %get3A_316 : vector<16xi1>, vector<16xf32>
        %swap3A_318 = arith.index_cast %mul3A_305 : i32 to index
        %swap3A_319 = tpu.vector_load %arg11[%swap3A_318] {strides = array<i32>} : memref<4096xf32, #tpu.memory_space<vmem>>, vector<16xf32>,
        tpu.vector_store %arg11[%swap3A_318], %select_n3A_317 {strides = array<i32>} : memref<4096xf32, #tpu.memory_space<vmem>>, vector<16xf32>,
        %mul3A_320 = arith.constant 8 : i32
        %mul3A_321 = arith.muli %scan3A_224, %mul3A_320 : i32
        %add3A_322 = arith.constant 5 : i32
        %add3A_323 = arith.addi %mul3A_321, %add3A_322 : i32
        %mul3A_324 = arith.constant 16 : i32
        %mul3A_325 = arith.muli %add3A_323, %mul3A_324 : i32
        %get3A_326 = arith.index_cast %mul3A_325 : i32 to index
        %get3A_327 = tpu.vector_load %arg9[%get3A_326] {strides = array<i32>} : memref<4096xi32, #tpu.memory_space<vmem>>, vector<16xi32>,
        %sub3A_328 = arith.constant 33408 : i32
        %sub3A_329 = vector.broadcast %sub3A_328 : i32 to vector<16xi32>
        %sub3A_330 = arith.subi %get3A_327, %sub3A_329 : vector<16xi32>
        %lt3A_331 = arith.constant 33408 : i32
        %lt3A_332 = vector.broadcast %lt3A_331 : i32 to vector<16xi32>
        %lt3A_333 = arith.cmpi ult, %sub3A_330, %lt3A_332 : vector<16xi32>
        %gather3A_334 = tpu.vector_load_idx %arg6[%sub3A_330] masked %lt3A_333 : memref<33408xf32, #tpu.memory_space<vmem>>[vector<16xi32>], vector<16xf32>, vector<16xi1>
        %get3A_335 = arith.index_cast %mul3A_325 : i32 to index
        %get3A_336 = tpu.vector_load %arg11[%get3A_335] {strides = array<i32>} : memref<4096xf32, #tpu.memory_space<vmem>>, vector<16xf32>,
        %select_n3A_337 = arith.select %lt3A_333, %gather3A_334, %get3A_336 : vector<16xi1>, vector<16xf32>
        %swap3A_338 = arith.index_cast %mul3A_325 : i32 to index
        %swap3A_339 = tpu.vector_load %arg11[%swap3A_338] {strides = array<i32>} : memref<4096xf32, #tpu.memory_space<vmem>>, vector<16xf32>,
        tpu.vector_store %arg11[%swap3A_338], %select_n3A_337 {strides = array<i32>} : memref<4096xf32, #tpu.memory_space<vmem>>, vector<16xf32>,
        %mul3A_340 = arith.constant 8 : i32
        %mul3A_341 = arith.muli %scan3A_224, %mul3A_340 : i32
        %add3A_342 = arith.constant 6 : i32
        %add3A_343 = arith.addi %mul3A_341, %add3A_342 : i32
        %mul3A_344 = arith.constant 16 : i32
        %mul3A_345 = arith.muli %add3A_343, %mul3A_344 : i32
        %get3A_346 = arith.index_cast %mul3A_345 : i32 to index
        %get3A_347 = tpu.vector_load %arg9[%get3A_346] {strides = array<i32>} : memref<4096xi32, #tpu.memory_space<vmem>>, vector<16xi32>,
        %sub3A_348 = arith.constant 33408 : i32
        %sub3A_349 = vector.broadcast %sub3A_348 : i32 to vector<16xi32>
        %sub3A_350 = arith.subi %get3A_347, %sub3A_349 : vector<16xi32>
        %lt3A_351 = arith.constant 33408 : i32
        %lt3A_352 = vector.broadcast %lt3A_351 : i32 to vector<16xi32>
        %lt3A_353 = arith.cmpi ult, %sub3A_350, %lt3A_352 : vector<16xi32>
        %gather3A_354 = tpu.vector_load_idx %arg6[%sub3A_350] masked %lt3A_353 : memref<33408xf32, #tpu.memory_space<vmem>>[vector<16xi32>], vector<16xf32>, vector<16xi1>
        %get3A_355 = arith.index_cast %mul3A_345 : i32 to index
        %get3A_356 = tpu.vector_load %arg11[%get3A_355] {strides = array<i32>} : memref<4096xf32, #tpu.memory_space<vmem>>, vector<16xf32>,
        %select_n3A_357 = arith.select %lt3A_353, %gather3A_354, %get3A_356 : vector<16xi1>, vector<16xf32>
        %swap3A_358 = arith.index_cast %mul3A_345 : i32 to index
        %swap3A_359 = tpu.vector_load %arg11[%swap3A_358] {strides = array<i32>} : memref<4096xf32, #tpu.memory_space<vmem>>, vector<16xf32>,
        tpu.vector_store %arg11[%swap3A_358], %select_n3A_357 {strides = array<i32>} : memref<4096xf32, #tpu.memory_space<vmem>>, vector<16xf32>,
        %mul3A_360 = arith.constant 8 : i32
        %mul3A_361 = arith.muli %scan3A_224, %mul3A_360 : i32
        %add3A_362 = arith.constant 7 : i32
        %add3A_363 = arith.addi %mul3A_361, %add3A_362 : i32
        %mul3A_364 = arith.constant 16 : i32
        %mul3A_365 = arith.muli %add3A_363, %mul3A_364 : i32
        %get3A_366 = arith.index_cast %mul3A_365 : i32 to index
        %get3A_367 = tpu.vector_load %arg9[%get3A_366] {strides = array<i32>} : memref<4096xi32, #tpu.memory_space<vmem>>, vector<16xi32>,
        %sub3A_368 = arith.constant 33408 : i32
        %sub3A_369 = vector.broadcast %sub3A_368 : i32 to vector<16xi32>
        %sub3A_370 = arith.subi %get3A_367, %sub3A_369 : vector<16xi32>
        %lt3A_371 = arith.constant 33408 : i32
        %lt3A_372 = vector.broadcast %lt3A_371 : i32 to vector<16xi32>
        %lt3A_373 = arith.cmpi ult, %sub3A_370, %lt3A_372 : vector<16xi32>
        %gather3A_374 = tpu.vector_load_idx %arg6[%sub3A_370] masked %lt3A_373 : memref<33408xf32, #tpu.memory_space<vmem>>[vector<16xi32>], vector<16xf32>, vector<16xi1>
        %get3A_375 = arith.index_cast %mul3A_365 : i32 to index
        %get3A_376 = tpu.vector_load %arg11[%get3A_375] {strides = array<i32>} : memref<4096xf32, #tpu.memory_space<vmem>>, vector<16xf32>,
        %select_n3A_377 = arith.select %lt3A_373, %gather3A_374, %get3A_376 : vector<16xi1>, vector<16xf32>
        %swap3A_378 = arith.index_cast %mul3A_365 : i32 to index
        %swap3A_379 = tpu.vector_load %arg11[%swap3A_378] {strides = array<i32>} : memref<4096xf32, #tpu.memory_space<vmem>>, vector<16xf32>,
        tpu.vector_store %arg11[%swap3A_378], %select_n3A_377 {strides = array<i32>} : memref<4096xf32, #tpu.memory_space<vmem>>, vector<16xf32>,
      }
      %scan3A_188 = arith.constant 32 : i32
      %convert_element_type3A_189 = arith.extui %lt3A_153 : i1 to i32
      %cond3A_190 = arith.constant 0 : i32
      %cond3A_191 = arith.cmpi ne, %convert_element_type3A_189, %cond3A_190 : i32
      scf.if %cond3A_191 {
        %add3A_224 = arith.constant 32 : i32
        %add3A_225 = arith.addi %add3A_59, %add3A_224 : i32
        %dma_start3A_226 = arith.constant 0 : i32
        %dma_start3A_227 = tpu.memref_slice %arg2[%add3A_225, %dma_start3A_226] : memref<832x100000xf32, #tpu.memory_space<hbm>> -> memref<1x100000xf32, #tpu.memory_space<hbm>>
        %dma_start3A_228 = tpu.memref_squeeze %dma_start3A_227 : memref<1x100000xf32, #tpu.memory_space<hbm>> -> memref<100000xf32, #tpu.memory_space<hbm>>
        %dma_start3A_229 = arith.constant 33408 : i32
        %dma_start3A_230 = tpu.memref_slice %dma_start3A_228[%dma_start3A_229] : memref<100000xf32, #tpu.memory_space<hbm>> -> memref<33408xf32, #tpu.memory_space<hbm>>
        %dma_start3A_231 = arith.constant 0 : i32
        %dma_start3A_232 = tpu.memref_slice %arg2[%add3A_225, %dma_start3A_231] : memref<832x100000xf32, #tpu.memory_space<hbm>> -> memref<1x100000xf32, #tpu.memory_space<hbm>>
        %dma_start3A_233 = tpu.memref_squeeze %dma_start3A_232 : memref<1x100000xf32, #tpu.memory_space<hbm>> -> memref<100000xf32, #tpu.memory_space<hbm>>
        %dma_start3A_234 = arith.constant 33408 : i32
        %dma_start3A_235 = tpu.memref_slice %dma_start3A_233[%dma_start3A_234] : memref<100000xf32, #tpu.memory_space<hbm>> -> memref<33408xf32, #tpu.memory_space<hbm>>
        tpu.enqueue_dma source(%dma_start3A_235 : memref<33408xf32, #tpu.memory_space<hbm>>) target(%arg6 : memref<33408xf32, #tpu.memory_space<vmem>>) target_semaphore(%arg13 : memref<!tpu.dma_semaphore, #tpu.memory_space<semaphore_mem>>)
      } else {
      }
      %dma_wait3A_192 = arith.constant 0 : i32
      %dma_wait3A_193 = tpu.memref_slice %arg2[%add3A_59, %dma_wait3A_192] : memref<832x100000xf32, #tpu.memory_space<hbm>> -> memref<1x100000xf32, #tpu.memory_space<hbm>>
      %dma_wait3A_194 = tpu.memref_squeeze %dma_wait3A_193 : memref<1x100000xf32, #tpu.memory_space<hbm>> -> memref<100000xf32, #tpu.memory_space<hbm>>
      %dma_wait3A_195 = arith.constant 66816 : i32
      %dma_wait3A_196 = tpu.memref_slice %dma_wait3A_194[%dma_wait3A_195] : memref<100000xf32, #tpu.memory_space<hbm>> -> memref<33184xf32, #tpu.memory_space<hbm>>
      %dma_wait3A_197 = arith.constant 0 : i32
      %dma_wait3A_198 = tpu.memref_slice %arg2[%add3A_59, %dma_wait3A_197] : memref<832x100000xf32, #tpu.memory_space<hbm>> -> memref<1x100000xf32, #tpu.memory_space<hbm>>
      %dma_wait3A_199 = tpu.memref_squeeze %dma_wait3A_198 : memref<1x100000xf32, #tpu.memory_space<hbm>> -> memref<100000xf32, #tpu.memory_space<hbm>>
      %dma_wait3A_200 = arith.constant 66816 : i32
      %dma_wait3A_201 = tpu.memref_slice %dma_wait3A_199[%dma_wait3A_200] : memref<100000xf32, #tpu.memory_space<hbm>> -> memref<33184xf32, #tpu.memory_space<hbm>>
      tpu.wait_dma2 semaphore(%arg14 : memref<!tpu.dma_semaphore, #tpu.memory_space<semaphore_mem>>) src(%dma_wait3A_201 : memref<33184xf32, #tpu.memory_space<hbm>>) dst(%arg7 : memref<33184xf32, #tpu.memory_space<vmem>>)
      %scan3A_202 = arith.constant 0 : i32
      %scan3A_203 = arith.constant 0 : i32
      %scan3A_204 = arith.constant 32 : i32
      %scan3A_205 = arith.addi %scan3A_203, %scan3A_204 : i32
      %scan3A_206 = arith.constant 1 : i32
      scf.for %scan3A_224 = %scan3A_203 to %scan3A_205 step %scan3A_206  : i32 {
        %mul3A_225 = arith.constant 8 : i32
        %mul3A_226 = arith.muli %scan3A_224, %mul3A_225 : i32
        %add3A_227 = arith.constant 0 : i32
        %add3A_228 = arith.addi %mul3A_226, %add3A_227 : i32
        %mul3A_229 = arith.constant 16 : i32
        %mul3A_230 = arith.muli %add3A_228, %mul3A_229 : i32
        %get3A = arith.index_cast %mul3A_230 : i32 to index
        %get3A_231 = tpu.vector_load %arg9[%get3A] {strides = array<i32>} : memref<4096xi32, #tpu.memory_space<vmem>>, vector<16xi32>,
        %sub3A = arith.constant 66816 : i32
        %sub3A_232 = vector.broadcast %sub3A : i32 to vector<16xi32>
        %sub3A_233 = arith.subi %get3A_231, %sub3A_232 : vector<16xi32>
        %ge3A = arith.constant 0 : i32
        %ge3A_234 = vector.broadcast %ge3A : i32 to vector<16xi32>
        %ge3A_235 = arith.cmpi sge, %sub3A_233, %ge3A_234 : vector<16xi32>
        %gather3A = tpu.vector_load_idx %arg7[%sub3A_233] masked %ge3A_235 : memref<33184xf32, #tpu.memory_space<vmem>>[vector<16xi32>], vector<16xf32>, vector<16xi1>
        %get3A_236 = arith.index_cast %mul3A_230 : i32 to index
        %get3A_237 = tpu.vector_load %arg11[%get3A_236] {strides = array<i32>} : memref<4096xf32, #tpu.memory_space<vmem>>, vector<16xf32>,
        %select_n3A = arith.select %ge3A_235, %gather3A, %get3A_237 : vector<16xi1>, vector<16xf32>
        %swap3A = arith.index_cast %mul3A_230 : i32 to index
        %swap3A_238 = tpu.vector_load %arg11[%swap3A] {strides = array<i32>} : memref<4096xf32, #tpu.memory_space<vmem>>, vector<16xf32>,
        tpu.vector_store %arg11[%swap3A], %select_n3A {strides = array<i32>} : memref<4096xf32, #tpu.memory_space<vmem>>, vector<16xf32>,
        %mul3A_239 = arith.constant 8 : i32
        %mul3A_240 = arith.muli %scan3A_224, %mul3A_239 : i32
        %add3A_241 = arith.constant 1 : i32
        %add3A_242 = arith.addi %mul3A_240, %add3A_241 : i32
        %mul3A_243 = arith.constant 16 : i32
        %mul3A_244 = arith.muli %add3A_242, %mul3A_243 : i32
        %get3A_245 = arith.index_cast %mul3A_244 : i32 to index
        %get3A_246 = tpu.vector_load %arg9[%get3A_245] {strides = array<i32>} : memref<4096xi32, #tpu.memory_space<vmem>>, vector<16xi32>,
        %sub3A_247 = arith.constant 66816 : i32
        %sub3A_248 = vector.broadcast %sub3A_247 : i32 to vector<16xi32>
        %sub3A_249 = arith.subi %get3A_246, %sub3A_248 : vector<16xi32>
        %ge3A_250 = arith.constant 0 : i32
        %ge3A_251 = vector.broadcast %ge3A_250 : i32 to vector<16xi32>
        %ge3A_252 = arith.cmpi sge, %sub3A_249, %ge3A_251 : vector<16xi32>
        %gather3A_253 = tpu.vector_load_idx %arg7[%sub3A_249] masked %ge3A_252 : memref<33184xf32, #tpu.memory_space<vmem>>[vector<16xi32>], vector<16xf32>, vector<16xi1>
        %get3A_254 = arith.index_cast %mul3A_244 : i32 to index
        %get3A_255 = tpu.vector_load %arg11[%get3A_254] {strides = array<i32>} : memref<4096xf32, #tpu.memory_space<vmem>>, vector<16xf32>,
        %select_n3A_256 = arith.select %ge3A_252, %gather3A_253, %get3A_255 : vector<16xi1>, vector<16xf32>
        %swap3A_257 = arith.index_cast %mul3A_244 : i32 to index
        %swap3A_258 = tpu.vector_load %arg11[%swap3A_257] {strides = array<i32>} : memref<4096xf32, #tpu.memory_space<vmem>>, vector<16xf32>,
        tpu.vector_store %arg11[%swap3A_257], %select_n3A_256 {strides = array<i32>} : memref<4096xf32, #tpu.memory_space<vmem>>, vector<16xf32>,
        %mul3A_259 = arith.constant 8 : i32
        %mul3A_260 = arith.muli %scan3A_224, %mul3A_259 : i32
        %add3A_261 = arith.constant 2 : i32
        %add3A_262 = arith.addi %mul3A_260, %add3A_261 : i32
        %mul3A_263 = arith.constant 16 : i32
        %mul3A_264 = arith.muli %add3A_262, %mul3A_263 : i32
        %get3A_265 = arith.index_cast %mul3A_264 : i32 to index
        %get3A_266 = tpu.vector_load %arg9[%get3A_265] {strides = array<i32>} : memref<4096xi32, #tpu.memory_space<vmem>>, vector<16xi32>,
        %sub3A_267 = arith.constant 66816 : i32
        %sub3A_268 = vector.broadcast %sub3A_267 : i32 to vector<16xi32>
        %sub3A_269 = arith.subi %get3A_266, %sub3A_268 : vector<16xi32>
        %ge3A_270 = arith.constant 0 : i32
        %ge3A_271 = vector.broadcast %ge3A_270 : i32 to vector<16xi32>
        %ge3A_272 = arith.cmpi sge, %sub3A_269, %ge3A_271 : vector<16xi32>
        %gather3A_273 = tpu.vector_load_idx %arg7[%sub3A_269] masked %ge3A_272 : memref<33184xf32, #tpu.memory_space<vmem>>[vector<16xi32>], vector<16xf32>, vector<16xi1>
        %get3A_274 = arith.index_cast %mul3A_264 : i32 to index
        %get3A_275 = tpu.vector_load %arg11[%get3A_274] {strides = array<i32>} : memref<4096xf32, #tpu.memory_space<vmem>>, vector<16xf32>,
        %select_n3A_276 = arith.select %ge3A_272, %gather3A_273, %get3A_275 : vector<16xi1>, vector<16xf32>
        %swap3A_277 = arith.index_cast %mul3A_264 : i32 to index
        %swap3A_278 = tpu.vector_load %arg11[%swap3A_277] {strides = array<i32>} : memref<4096xf32, #tpu.memory_space<vmem>>, vector<16xf32>,
        tpu.vector_store %arg11[%swap3A_277], %select_n3A_276 {strides = array<i32>} : memref<4096xf32, #tpu.memory_space<vmem>>, vector<16xf32>,
        %mul3A_279 = arith.constant 8 : i32
        %mul3A_280 = arith.muli %scan3A_224, %mul3A_279 : i32
        %add3A_281 = arith.constant 3 : i32
        %add3A_282 = arith.addi %mul3A_280, %add3A_281 : i32
        %mul3A_283 = arith.constant 16 : i32
        %mul3A_284 = arith.muli %add3A_282, %mul3A_283 : i32
        %get3A_285 = arith.index_cast %mul3A_284 : i32 to index
        %get3A_286 = tpu.vector_load %arg9[%get3A_285] {strides = array<i32>} : memref<4096xi32, #tpu.memory_space<vmem>>, vector<16xi32>,
        %sub3A_287 = arith.constant 66816 : i32
        %sub3A_288 = vector.broadcast %sub3A_287 : i32 to vector<16xi32>
        %sub3A_289 = arith.subi %get3A_286, %sub3A_288 : vector<16xi32>
        %ge3A_290 = arith.constant 0 : i32
        %ge3A_291 = vector.broadcast %ge3A_290 : i32 to vector<16xi32>
        %ge3A_292 = arith.cmpi sge, %sub3A_289, %ge3A_291 : vector<16xi32>
        %gather3A_293 = tpu.vector_load_idx %arg7[%sub3A_289] masked %ge3A_292 : memref<33184xf32, #tpu.memory_space<vmem>>[vector<16xi32>], vector<16xf32>, vector<16xi1>
        %get3A_294 = arith.index_cast %mul3A_284 : i32 to index
        %get3A_295 = tpu.vector_load %arg11[%get3A_294] {strides = array<i32>} : memref<4096xf32, #tpu.memory_space<vmem>>, vector<16xf32>,
        %select_n3A_296 = arith.select %ge3A_292, %gather3A_293, %get3A_295 : vector<16xi1>, vector<16xf32>
        %swap3A_297 = arith.index_cast %mul3A_284 : i32 to index
        %swap3A_298 = tpu.vector_load %arg11[%swap3A_297] {strides = array<i32>} : memref<4096xf32, #tpu.memory_space<vmem>>, vector<16xf32>,
        tpu.vector_store %arg11[%swap3A_297], %select_n3A_296 {strides = array<i32>} : memref<4096xf32, #tpu.memory_space<vmem>>, vector<16xf32>,
        %mul3A_299 = arith.constant 8 : i32
        %mul3A_300 = arith.muli %scan3A_224, %mul3A_299 : i32
        %add3A_301 = arith.constant 4 : i32
        %add3A_302 = arith.addi %mul3A_300, %add3A_301 : i32
        %mul3A_303 = arith.constant 16 : i32
        %mul3A_304 = arith.muli %add3A_302, %mul3A_303 : i32
        %get3A_305 = arith.index_cast %mul3A_304 : i32 to index
        %get3A_306 = tpu.vector_load %arg9[%get3A_305] {strides = array<i32>} : memref<4096xi32, #tpu.memory_space<vmem>>, vector<16xi32>,
        %sub3A_307 = arith.constant 66816 : i32
        %sub3A_308 = vector.broadcast %sub3A_307 : i32 to vector<16xi32>
        %sub3A_309 = arith.subi %get3A_306, %sub3A_308 : vector<16xi32>
        %ge3A_310 = arith.constant 0 : i32
        %ge3A_311 = vector.broadcast %ge3A_310 : i32 to vector<16xi32>
        %ge3A_312 = arith.cmpi sge, %sub3A_309, %ge3A_311 : vector<16xi32>
        %gather3A_313 = tpu.vector_load_idx %arg7[%sub3A_309] masked %ge3A_312 : memref<33184xf32, #tpu.memory_space<vmem>>[vector<16xi32>], vector<16xf32>, vector<16xi1>
        %get3A_314 = arith.index_cast %mul3A_304 : i32 to index
        %get3A_315 = tpu.vector_load %arg11[%get3A_314] {strides = array<i32>} : memref<4096xf32, #tpu.memory_space<vmem>>, vector<16xf32>,
        %select_n3A_316 = arith.select %ge3A_312, %gather3A_313, %get3A_315 : vector<16xi1>, vector<16xf32>
        %swap3A_317 = arith.index_cast %mul3A_304 : i32 to index
        %swap3A_318 = tpu.vector_load %arg11[%swap3A_317] {strides = array<i32>} : memref<4096xf32, #tpu.memory_space<vmem>>, vector<16xf32>,
        tpu.vector_store %arg11[%swap3A_317], %select_n3A_316 {strides = array<i32>} : memref<4096xf32, #tpu.memory_space<vmem>>, vector<16xf32>,
        %mul3A_319 = arith.constant 8 : i32
        %mul3A_320 = arith.muli %scan3A_224, %mul3A_319 : i32
        %add3A_321 = arith.constant 5 : i32
        %add3A_322 = arith.addi %mul3A_320, %add3A_321 : i32
        %mul3A_323 = arith.constant 16 : i32
        %mul3A_324 = arith.muli %add3A_322, %mul3A_323 : i32
        %get3A_325 = arith.index_cast %mul3A_324 : i32 to index
        %get3A_326 = tpu.vector_load %arg9[%get3A_325] {strides = array<i32>} : memref<4096xi32, #tpu.memory_space<vmem>>, vector<16xi32>,
        %sub3A_327 = arith.constant 66816 : i32
        %sub3A_328 = vector.broadcast %sub3A_327 : i32 to vector<16xi32>
        %sub3A_329 = arith.subi %get3A_326, %sub3A_328 : vector<16xi32>
        %ge3A_330 = arith.constant 0 : i32
        %ge3A_331 = vector.broadcast %ge3A_330 : i32 to vector<16xi32>
        %ge3A_332 = arith.cmpi sge, %sub3A_329, %ge3A_331 : vector<16xi32>
        %gather3A_333 = tpu.vector_load_idx %arg7[%sub3A_329] masked %ge3A_332 : memref<33184xf32, #tpu.memory_space<vmem>>[vector<16xi32>], vector<16xf32>, vector<16xi1>
        %get3A_334 = arith.index_cast %mul3A_324 : i32 to index
        %get3A_335 = tpu.vector_load %arg11[%get3A_334] {strides = array<i32>} : memref<4096xf32, #tpu.memory_space<vmem>>, vector<16xf32>,
        %select_n3A_336 = arith.select %ge3A_332, %gather3A_333, %get3A_335 : vector<16xi1>, vector<16xf32>
        %swap3A_337 = arith.index_cast %mul3A_324 : i32 to index
        %swap3A_338 = tpu.vector_load %arg11[%swap3A_337] {strides = array<i32>} : memref<4096xf32, #tpu.memory_space<vmem>>, vector<16xf32>,
        tpu.vector_store %arg11[%swap3A_337], %select_n3A_336 {strides = array<i32>} : memref<4096xf32, #tpu.memory_space<vmem>>, vector<16xf32>,
        %mul3A_339 = arith.constant 8 : i32
        %mul3A_340 = arith.muli %scan3A_224, %mul3A_339 : i32
        %add3A_341 = arith.constant 6 : i32
        %add3A_342 = arith.addi %mul3A_340, %add3A_341 : i32
        %mul3A_343 = arith.constant 16 : i32
        %mul3A_344 = arith.muli %add3A_342, %mul3A_343 : i32
        %get3A_345 = arith.index_cast %mul3A_344 : i32 to index
        %get3A_346 = tpu.vector_load %arg9[%get3A_345] {strides = array<i32>} : memref<4096xi32, #tpu.memory_space<vmem>>, vector<16xi32>,
        %sub3A_347 = arith.constant 66816 : i32
        %sub3A_348 = vector.broadcast %sub3A_347 : i32 to vector<16xi32>
        %sub3A_349 = arith.subi %get3A_346, %sub3A_348 : vector<16xi32>
        %ge3A_350 = arith.constant 0 : i32
        %ge3A_351 = vector.broadcast %ge3A_350 : i32 to vector<16xi32>
        %ge3A_352 = arith.cmpi sge, %sub3A_349, %ge3A_351 : vector<16xi32>
        %gather3A_353 = tpu.vector_load_idx %arg7[%sub3A_349] masked %ge3A_352 : memref<33184xf32, #tpu.memory_space<vmem>>[vector<16xi32>], vector<16xf32>, vector<16xi1>
        %get3A_354 = arith.index_cast %mul3A_344 : i32 to index
        %get3A_355 = tpu.vector_load %arg11[%get3A_354] {strides = array<i32>} : memref<4096xf32, #tpu.memory_space<vmem>>, vector<16xf32>,
        %select_n3A_356 = arith.select %ge3A_352, %gather3A_353, %get3A_355 : vector<16xi1>, vector<16xf32>
        %swap3A_357 = arith.index_cast %mul3A_344 : i32 to index
        %swap3A_358 = tpu.vector_load %arg11[%swap3A_357] {strides = array<i32>} : memref<4096xf32, #tpu.memory_space<vmem>>, vector<16xf32>,
        tpu.vector_store %arg11[%swap3A_357], %select_n3A_356 {strides = array<i32>} : memref<4096xf32, #tpu.memory_space<vmem>>, vector<16xf32>,
        %mul3A_359 = arith.constant 8 : i32
        %mul3A_360 = arith.muli %scan3A_224, %mul3A_359 : i32
        %add3A_361 = arith.constant 7 : i32
        %add3A_362 = arith.addi %mul3A_360, %add3A_361 : i32
        %mul3A_363 = arith.constant 16 : i32
        %mul3A_364 = arith.muli %add3A_362, %mul3A_363 : i32
        %get3A_365 = arith.index_cast %mul3A_364 : i32 to index
        %get3A_366 = tpu.vector_load %arg9[%get3A_365] {strides = array<i32>} : memref<4096xi32, #tpu.memory_space<vmem>>, vector<16xi32>,
        %sub3A_367 = arith.constant 66816 : i32
        %sub3A_368 = vector.broadcast %sub3A_367 : i32 to vector<16xi32>
        %sub3A_369 = arith.subi %get3A_366, %sub3A_368 : vector<16xi32>
        %ge3A_370 = arith.constant 0 : i32
        %ge3A_371 = vector.broadcast %ge3A_370 : i32 to vector<16xi32>
        %ge3A_372 = arith.cmpi sge, %sub3A_369, %ge3A_371 : vector<16xi32>
        %gather3A_373 = tpu.vector_load_idx %arg7[%sub3A_369] masked %ge3A_372 : memref<33184xf32, #tpu.memory_space<vmem>>[vector<16xi32>], vector<16xf32>, vector<16xi1>
        %get3A_374 = arith.index_cast %mul3A_364 : i32 to index
        %get3A_375 = tpu.vector_load %arg11[%get3A_374] {strides = array<i32>} : memref<4096xf32, #tpu.memory_space<vmem>>, vector<16xf32>,
        %select_n3A_376 = arith.select %ge3A_372, %gather3A_373, %get3A_375 : vector<16xi1>, vector<16xf32>
        %swap3A_377 = arith.index_cast %mul3A_364 : i32 to index
        %swap3A_378 = tpu.vector_load %arg11[%swap3A_377] {strides = array<i32>} : memref<4096xf32, #tpu.memory_space<vmem>>, vector<16xf32>,
        tpu.vector_store %arg11[%swap3A_377], %select_n3A_376 {strides = array<i32>} : memref<4096xf32, #tpu.memory_space<vmem>>, vector<16xf32>,
      }
      %scan3A_207 = arith.constant 32 : i32
      %convert_element_type3A_208 = arith.extui %lt3A_153 : i1 to i32
      %cond3A_209 = arith.constant 0 : i32
      %cond3A_210 = arith.cmpi ne, %convert_element_type3A_208, %cond3A_209 : i32
      scf.if %cond3A_210 {
        %add3A_224 = arith.constant 32 : i32
        %add3A_225 = arith.addi %add3A_59, %add3A_224 : i32
        %dma_start3A_226 = arith.constant 0 : i32
        %dma_start3A_227 = tpu.memref_slice %arg2[%add3A_225, %dma_start3A_226] : memref<832x100000xf32, #tpu.memory_space<hbm>> -> memref<1x100000xf32, #tpu.memory_space<hbm>>
        %dma_start3A_228 = tpu.memref_squeeze %dma_start3A_227 : memref<1x100000xf32, #tpu.memory_space<hbm>> -> memref<100000xf32, #tpu.memory_space<hbm>>
        %dma_start3A_229 = arith.constant 66816 : i32
        %dma_start3A_230 = tpu.memref_slice %dma_start3A_228[%dma_start3A_229] : memref<100000xf32, #tpu.memory_space<hbm>> -> memref<33184xf32, #tpu.memory_space<hbm>>
        %dma_start3A_231 = arith.constant 0 : i32
        %dma_start3A_232 = tpu.memref_slice %arg2[%add3A_225, %dma_start3A_231] : memref<832x100000xf32, #tpu.memory_space<hbm>> -> memref<1x100000xf32, #tpu.memory_space<hbm>>
        %dma_start3A_233 = tpu.memref_squeeze %dma_start3A_232 : memref<1x100000xf32, #tpu.memory_space<hbm>> -> memref<100000xf32, #tpu.memory_space<hbm>>
        %dma_start3A_234 = arith.constant 66816 : i32
        %dma_start3A_235 = tpu.memref_slice %dma_start3A_233[%dma_start3A_234] : memref<100000xf32, #tpu.memory_space<hbm>> -> memref<33184xf32, #tpu.memory_space<hbm>>
        tpu.enqueue_dma source(%dma_start3A_235 : memref<33184xf32, #tpu.memory_space<hbm>>) target(%arg7 : memref<33184xf32, #tpu.memory_space<vmem>>) target_semaphore(%arg14 : memref<!tpu.dma_semaphore, #tpu.memory_space<semaphore_mem>>)
      } else {
      }
      %dma_start3A_211 = arith.constant 0 : i32
      %dma_start3A_212 = tpu.memref_slice %arg4[%add3A_59, %dma_start3A_211] : memref<832x4096xf32, #tpu.memory_space<hbm>> -> memref<1x4096xf32, #tpu.memory_space<hbm>>
      %dma_start3A_213 = tpu.memref_squeeze %dma_start3A_212 : memref<1x4096xf32, #tpu.memory_space<hbm>> -> memref<4096xf32, #tpu.memory_space<hbm>>
      %dma_start3A_214 = arith.constant 0 : i32
      %dma_start3A_215 = tpu.memref_slice %arg4[%add3A_59, %dma_start3A_214] : memref<832x4096xf32, #tpu.memory_space<hbm>> -> memref<1x4096xf32, #tpu.memory_space<hbm>>
      %dma_start3A_216 = tpu.memref_squeeze %dma_start3A_215 : memref<1x4096xf32, #tpu.memory_space<hbm>> -> memref<4096xf32, #tpu.memory_space<hbm>>
      tpu.enqueue_dma source(%arg11 : memref<4096xf32, #tpu.memory_space<vmem>>) target(%dma_start3A_216 : memref<4096xf32, #tpu.memory_space<hbm>>) target_semaphore(%arg18 : memref<!tpu.dma_semaphore, #tpu.memory_space<semaphore_mem>>)
      %add3A_217 = arith.constant 1 : i32
      %add3A_218 = arith.addi %add3A_54, %add3A_217 : i32
      %lt3A_219 = arith.constant 26 : i32
      %lt3A_220 = arith.cmpi slt, %add3A_218, %lt3A_219 : i32
      %convert_element_type3A_221 = arith.extui %lt3A_220 : i1 to i32
      %cond3A_222 = arith.constant 0 : i32
      %cond3A_223 = arith.cmpi ne, %convert_element_type3A_221, %cond3A_222 : i32
      scf.if %cond3A_223 {
        %add3A_224 = arith.constant 1 : i32
        %add3A_225 = arith.addi %add3A_54, %add3A_224 : i32
        %dma_wait3A_226 = arith.constant 0 : i32
        %dma_wait3A_227 = tpu.memref_slice %arg3[%add3A_225, %dma_wait3A_226] : memref<26x4096xi32, #tpu.memory_space<hbm>> -> memref<1x4096xi32, #tpu.memory_space<hbm>>
        %dma_wait3A_228 = tpu.memref_squeeze %dma_wait3A_227 : memref<1x4096xi32, #tpu.memory_space<hbm>> -> memref<4096xi32, #tpu.memory_space<hbm>>
        %dma_wait3A_229 = arith.constant 0 : i32
        %dma_wait3A_230 = tpu.memref_slice %arg3[%add3A_225, %dma_wait3A_229] : memref<26x4096xi32, #tpu.memory_space<hbm>> -> memref<1x4096xi32, #tpu.memory_space<hbm>>
        %dma_wait3A_231 = tpu.memref_squeeze %dma_wait3A_230 : memref<1x4096xi32, #tpu.memory_space<hbm>> -> memref<4096xi32, #tpu.memory_space<hbm>>
        tpu.wait_dma2 semaphore(%arg15 : memref<!tpu.dma_semaphore, #tpu.memory_space<semaphore_mem>>) src(%dma_wait3A_231 : memref<4096xi32, #tpu.memory_space<hbm>>) dst(%arg8 : memref<4096xi32, #tpu.memory_space<vmem>>)
      } else {
      }
    }
    %scan3A_34 = arith.constant 13 : i32
    %add3A_35 = arith.constant 768 : i32
    %add3A_36 = arith.addi %add3A_35, %add3A : i32
    %dma_wait3A = arith.constant 0 : i32
    %dma_wait3A_37 = tpu.memref_slice %arg4[%add3A_36, %dma_wait3A] : memref<832x4096xf32, #tpu.memory_space<hbm>> -> memref<1x4096xf32, #tpu.memory_space<hbm>>
    %dma_wait3A_38 = tpu.memref_squeeze %dma_wait3A_37 : memref<1x4096xf32, #tpu.memory_space<hbm>> -> memref<4096xf32, #tpu.memory_space<hbm>>
    %dma_wait3A_39 = arith.constant 0 : i32
    %dma_wait3A_40 = tpu.memref_slice %arg4[%add3A_36, %dma_wait3A_39] : memref<832x4096xf32, #tpu.memory_space<hbm>> -> memref<1x4096xf32, #tpu.memory_space<hbm>>
    %dma_wait3A_41 = tpu.memref_squeeze %dma_wait3A_40 : memref<1x4096xf32, #tpu.memory_space<hbm>> -> memref<4096xf32, #tpu.memory_space<hbm>>
    tpu.wait_dma2 semaphore(%arg17 : memref<!tpu.dma_semaphore, #tpu.memory_space<semaphore_mem>>) src(%arg10 : memref<4096xf32, #tpu.memory_space<vmem>>) dst(%dma_wait3A_41 : memref<4096xf32, #tpu.memory_space<hbm>>)
    %add3A_42 = arith.constant 800 : i32
    %add3A_43 = arith.addi %add3A_42, %add3A : i32
    %dma_wait3A_44 = arith.constant 0 : i32
    %dma_wait3A_45 = tpu.memref_slice %arg4[%add3A_43, %dma_wait3A_44] : memref<832x4096xf32, #tpu.memory_space<hbm>> -> memref<1x4096xf32, #tpu.memory_space<hbm>>
    %dma_wait3A_46 = tpu.memref_squeeze %dma_wait3A_45 : memref<1x4096xf32, #tpu.memory_space<hbm>> -> memref<4096xf32, #tpu.memory_space<hbm>>
    %dma_wait3A_47 = arith.constant 0 : i32
    %dma_wait3A_48 = tpu.memref_slice %arg4[%add3A_43, %dma_wait3A_47] : memref<832x4096xf32, #tpu.memory_space<hbm>> -> memref<1x4096xf32, #tpu.memory_space<hbm>>
    %dma_wait3A_49 = tpu.memref_squeeze %dma_wait3A_48 : memref<1x4096xf32, #tpu.memory_space<hbm>> -> memref<4096xf32, #tpu.memory_space<hbm>>
    tpu.wait_dma2 semaphore(%arg18 : memref<!tpu.dma_semaphore, #tpu.memory_space<semaphore_mem>>) src(%arg11 : memref<4096xf32, #tpu.memory_space<vmem>>) dst(%dma_wait3A_49 : memref<4096xf32, #tpu.memory_space<hbm>>)
    return
  }
}

</mosaic_0001>

<sc_bundles>
// kernel: kernel.3.cloned.1.call-start
scs
__scs_entry_jumppad:
0x0: {  	(pc) =	sbr.rel $0x88, $3  }
0x1: {  	(tag) =	ssettag $0x0;
	lr =	simm.s32 $0x1  }
0x2: {  	[smem:$0x3F9F] =	sst lr;
	_ =	strace $0xD0000000  }
0x3: {  	_ = 	snop  }
0x4: {  	_ = 	snop  }
0x5: {  	_ = 	snop  }
0x6: {  	_ = 	snop  }
0x7: {  	_ = 	snop  }
__scs_overlays_trampoline_lowered:
0x8: {  	[smem:$0x3FAE] =	sst s0  }
0x9: {  	[smem:$0x3FAF] =	sst s1  }
0xa: {  	[smem:$0x3FB0] =	sst s2  }
0xb: {  	[smem:$0x3FB1] =	sst s3  }
0xc: {  	[smem:$0x3FB2] =	sst s4  }
0xd: {  	[smem:$0x3FB3] =	sst s5  }
0xe: {  	[smem:$0x3FB4] =	sst s6  }
0xf: {  	[smem:$0x3FB5] =	sst s7  }
0x10: {  	[smem:$0x3FB6] =	sst s8  }
0x11: {  	[smem:$0x3FB7] =	sst s9;
	s0 =	simm.s32 @!p0 $0x0  }
0x12: {  	s1 =	sld [smem:$0x3F9D];
	s0 =	simm.s32 @p0 $0x1  }
0x13: {  	[smem:$0x3FB8] =	sst s0;
	s0 =	simm.s32 @!p1 $0x0  }
0x14: {  	s2 =	sld [smem:$0x3F9C];
	s0 =	simm.s32 @p1 $0x1  }
0x15: {  	[smem:$0x3FB9] =	sst s0;
	s0 =	simm.s32 @!p2 $0x0  }
0x16: {  	s3 =	sld [smem:$0x3FDB];
	s0 =	simm.s32 @p2 $0x1  }
0x17: {  	s4 =	simm.s32 $0x1BF5;
	[smem:$0x3FBB] =	sst s0  }
0x18: {  	s0 =	sld [smem:$0x3F9E];
	_ =	swait.ge [sflag:s4], $0x0  }
0x19: {  	s7 =	sld [smem:$0x3F9F]  }
0x1a: {  	s8 =	sadd.s32 $0xFFFFE003, lr  }
0x1b: {  	s9 =	sadd.s32 $0xFFFFFEF7, lr;
	s5 =	simm.s32 $0xFFFFFFFF;
	p2 =	slt.u32 s8, $0xFFFFF086  }
0x1c: {  	p1 =	slt.u32 s9, $0xF7A;
	s5 =	simm.s32 @!p2 $0x0  }
0x1d: {  	s5 =	simm.s32 @p1 $0x1;
	p0 =	seq.s32 s7, s2  }
0x1e: {  	s7 =	smul.u32 @!p0 $0xF7A, s2;
	p2 =	seq.s32 @!p0 s5, $0x0  }
0x1f: {  	s9 =	smul.u32 $0xF7A, s1;
	s8 =	simm.s32 @!p0 $0x1BF5;
	p2 =	por !p2, p0  }
0x20: {  	[sflag:s8] =	ssyncset.s32 @!p0 $0xFFFFF086;
	s6 =	sadd.s32 @!p0 s3, s7;
	s7 =	simm.s32 @!p0 $0x108  }
0x21: {  	s3 =	sadd.s32 s3, s9;
	s6 =	sadd.s32 @!p0 $0x88, s6;
	s7 =	simm.s32 @p2 $0x1082  }
0x22: {  	[simem:s7], [sflag:s8] =	dma.local @!p0 [hbm:s6], $0xF7A  }
0x23: {  	s9 =	sor.u32 $0xD0000000, s2;
	s6 =	simm.s32 $0x108;
	_ =	swait.ge @!p0 [sflag:s8], $0x0  }
0x24: {  	s3 =	sadd.s32 $0x88, s3;
	s6 =	simm.s32 @!p1 $0x1082;
	[sflag:s4] =	ssyncset.s32 $0xFFFFF086  }
0x25: {  	[simem:s6], [sflag:s4] =	dma.local [hbm:s3], $0xF7A  }
0x26: {  	[smem:$0x3F9F] =	sst s1;
	(tag) =	ssettag s2;
	_ =	strace s9  }
0x27: {  	s1 =	sld [smem:$0x3FAF]  }
0x28: {  	s2 =	sld [smem:$0x3FB0]  }
0x29: {  	s4 =	sld [smem:$0x3FB2]  }
0x2a: {  	p0 =	seq.s32 s5, $0x0;
	s5 =	sld [smem:$0x3FB3]  }
0x2b: {  	s6 =	sld [smem:$0x3FB4]  }
0x2c: {  	s7 =	sld [smem:$0x3FB5]  }
0x2d: {  	s3 =	simm.s32 $0x108;
	s8 =	sld [smem:$0x3FB6]  }
0x2e: {  	s3 =	simm.s32 @!p0 $0x1082;
	s9 =	sld [smem:$0x3FB7]  }
0x2f: {  	lr =	sadd.s32 s0, s3;
	s0 =	sld [smem:$0x3FAE]  }
0x30: {  	s3 =	sld [smem:$0x3FB1]  }
0x31: {  	[smem:$0x3FBA] =	sst s10  }
0x32: {  	s10 =	sld [smem:$0x3FB8];
	_ =	sdelay $0x3  }
0x33: {  	p0 =	seq.s32 s10, $0x1;
	s10 =	sld [smem:$0x3FBA];
	_ =	sdelay $0x3  }
0x34: {  	[smem:$0x3FBA] =	sst s10  }
0x35: {  	s10 =	sld [smem:$0x3FB9];
	_ =	sdelay $0x3  }
0x36: {  	p1 =	seq.s32 s10, $0x1;
	s10 =	sld [smem:$0x3FBA];
	_ =	sdelay $0x3  }
0x37: {  	[smem:$0x3FBA] =	sst s10  }
0x38: {  	s10 =	sld [smem:$0x3FBB]  }
0x39: {  	_ = 	snop;
	(pc) =	sbr.ind lr, $3  }
0x3a: {  	_ = 	snop  }
0x3b: {  	_ = 	snop  }
0x3c: {  	p2 =	seq.s32 s10, $0x1;
	s10 =	sld [smem:$0x3FBA]  }
0x3d: {  	_ =	shalt  }
0x3e: {  	_ =	shalt  }
0x3f: {  	_ =	shalt  }
0x40: {  	_ =	shalt  }
0x41: {  	_ =	shalt  }
0x42: {  	_ =	shalt  }
0x43: {  	_ =	shalt  }
0x44: {  	_ =	shalt  }
0x45: {  	_ =	shalt  }
0x46: {  	_ =	shalt  }
0x47: {  	_ =	shalt  }
0x48: {  	_ =	shalt  }
0x49: {  	_ =	shalt  }
0x4a: {  	_ =	shalt  }
0x4b: {  	_ =	shalt  }
0x4c: {  	_ =	shalt  }
0x4d: {  	_ =	shalt  }
0x4e: {  	_ =	shalt  }
0x4f: {  	_ =	shalt  }
0x50: {  	_ =	shalt  }
0x51: {  	_ =	shalt  }
0x52: {  	_ =	shalt  }
0x53: {  	_ =	shalt  }
0x54: {  	_ =	shalt  }
0x55: {  	_ =	shalt  }
0x56: {  	_ =	shalt  }
0x57: {  	_ =	shalt  }
0x58: {  	_ =	shalt  }
0x59: {  	_ =	shalt  }
0x5a: {  	_ =	shalt  }
0x5b: {  	_ =	shalt  }
0x5c: {  	_ =	shalt  }
0x5d: {  	_ =	shalt  }
0x5e: {  	_ =	shalt  }
0x5f: {  	_ =	shalt  }
0x60: {  	_ =	shalt  }
0x61: {  	_ =	shalt  }
0x62: {  	_ =	shalt  }
0x63: {  	_ =	shalt  }
0x64: {  	_ =	shalt  }
0x65: {  	_ =	shalt  }
0x66: {  	_ =	shalt  }
0x67: {  	_ =	shalt  }
0x68: {  	_ =	shalt  }
0x69: {  	_ =	shalt  }
0x6a: {  	_ =	shalt  }
0x6b: {  	_ =	shalt  }
0x6c: {  	_ =	shalt  }
0x6d: {  	_ =	shalt  }
0x6e: {  	_ =	shalt  }
0x6f: {  	_ =	shalt  }
0x70: {  	_ =	shalt  }
0x71: {  	_ =	shalt  }
0x72: {  	_ =	shalt  }
0x73: {  	_ =	shalt  }
0x74: {  	_ =	shalt  }
0x75: {  	_ =	shalt  }
0x76: {  	_ =	shalt  }
0x77: {  	_ =	shalt  }
0x78: {  	_ =	shalt  }
0x79: {  	_ =	shalt  }
0x7a: {  	_ =	shalt  }
0x7b: {  	_ =	shalt  }
0x7c: {  	_ =	shalt  }
0x7d: {  	_ =	shalt  }
0x7e: {  	_ =	shalt  }
0x7f: {  	_ =	shalt  }
0x80: {  	_ =	shalt  }
0x81: {  	_ =	shalt  }
0x82: {  	_ =	shalt  }
0x83: {  	_ =	shalt  }
0x84: {  	_ =	shalt  }
0x85: {  	_ =	shalt  }
0x86: {  	_ =	shalt  }
0x87: {  	_ =	shalt  }
.Lfunc_end0:
.L_simem_size_0:
called_computation_lowered:
.L_overlay_start_0:
0x88: {  	s2 =	sld [smem:$0x3FD9]  }
0x89: {  	s3 =	sld [smem:$0x3FFE];
	_ =	sdelay $0x1  }
0x8a: {  	s1 =	srdreg.scid  }
0x8b: {  	s0 =	sand.u32 $0x1, s1  }
0x8c: {  	s18 =	sshll.u32 s0, $0xA;
	s2 =	sadd.s32 s3, s2  }
0x8d: {  	s2 =	sadd.s32 s2, s18  }
0x8e: {  	[smem:$0x3FC6] =	sst s2  }
0x8f: {  	_ = 	snop  }
0x90: {  	s2 =	sld [smem:$0x3FC9]  }
0x91: {  	s19 =	sld [smem:$0x3FC8]  }
0x92: {  	s4 =	sld [smem:$0x3FD0];
	(tm) =	ssettm $0x1  }
0x93: {  	s5 =	sld [smem:$0x3FFB];
	_ =	sdelay $0x3  }
0x94: {  	_ =	strace s5  }
0x95: {  	s5 =	sld [smem:$0x3FFC];
	_ =	sdelay $0x3  }
0x96: {  	_ =	strace s5  }
0x97: {  	s5 =	sld [smem:$0x3FFD];
	_ =	sdelay $0x3  }
0x98: {  	_ =	strace s5  }
0x99: {  	_ =	strace $0x8FFFFFFF  }
0x9a: {  	s20 =	sld [smem:$0x3FDB];
	_ =	sdelay $0x1  }
0x9b: {  	s6 =	simm.s32 $_scs_section_size  }
0x9c: {  	s7 =	simm.s32 $_size__tile_overlayer_lowered;
	s8 =	simm.s32 $_tile_overlayer_lowered  }
0x9d: {  	s23 =	simm.s32 $0x1BFF;
	s22 =	sshll.u32 s8, $0x1;
	s5 =	sadd.s32 s6, s20  }
0x9e: {  	s9 =	simm.s32 $0x0;
	s21 =	sshll.u32 s7, $0x1;
	s7 =	sadd.s32 s22, s5  }
0x9f: {  	[timem:s9], [sflag:s23] =	dma.local [hbm:s7], s21  }
0xa0: {  	_ =	swait.ge [sflag:s23], s21  }
0xa1: {  	s6 =	ssub.s32 $0x0, s21;
	[sflag:s23] =	ssyncset.done $0x0  }
0xa2: {  	[sflag:s23] =	ssyncadd.s32 s6;
	_ =	sdelay $0x1  }
0xa3: {  	s24 =	simm.s32 $0x1B8B  }
0xa4: {  	_ =	swait.ge [sflag:s24], $0x1  }
0xa5: {  	[sflag:s24] =	ssyncset.done $0x0  }
0xa6: {  	s25 =	simm.s32 $0x1B8E;
	[sflag:s24] =	ssyncadd.s32 $0xFFFFFFFF  }
0xa7: {  	s26 =	simm.s32 $execute0_lowered;
	[smem:$0x3FD2] =	sst s25  }
0xa8: {  	s6 =	sshll.u32 s26, $0x1;
	_ =	strace $0x80000046;
	[dreg:$0x1] =	wrdreg $0xFFFFFFFF  }
0xa9: {  	s28 =	simm.s32 $_size_execute0_lowered;
	s5 =	sadd.s32 s5, s6;
	[dreg:$0x0] =	wrdreg $0x0  }
0xaa: {  	s6 =	sshll.u32 s28, $0x1;
	[dreg:$0x2] =	wrdreg s5  }
0xab: {  	[dreg:$0x3] =	wrdreg s6  }
0xac: {  	[dreg:$0x4] =	wrdreg $0xC0  }
0xad: {  	_ =	task [dreg:s9], $0x5FFFF  }
0xae: {  	[dreg:$0x1] =	wrdreg $0xFFFFFFFF  }
0xaf: {  	[dreg:$0x0] =	wrdreg $0x60  }
0xb0: {  	[dreg:$0x2] =	wrdreg s19  }
0xb1: {  	[dreg:$0x3] =	wrdreg s2  }
0xb2: {  	[dreg:$0x4] =	wrdreg s4  }
0xb3: {  	[dreg:$0x5] =	wrdreg $0x9  }
0xb4: {  	_ =	task.clear_ibuf [dreg:s9], $0x6FFFF;
	_ =	strace $0x90000046  }
0xb5: {  	s29 =	simm.s32 $0x9;
	_ =	strace $0x80000048  }
0xb6: {  	_ =	swait.ge [sflag:s29], $0x1  }
0xb7: {  	[sflag:s29] =	ssyncadd.s32 $0xFFFFFFFF  }
0xb8: {  	_ =	strace $0x90000048  }
0xb9: {  	_ =	sfence  }
0xba: {  	s30 =	sld [smem:$0x0];
	_ =	sdelay $0x2  }
0xbb: {  	s31 =	sshll.u32 s1, $0xD;
	s1 =	sshrl.u32 s1, $0x2  }
0xbc: {  	s3 =	sand.u32 $0x4000, s31;
	s1 =	sadd.s32 s1, s30  }
0xbd: {  	s0 =	sor.u32 s3, s0;
	s1 =	sshll.u32 s1, $0x11  }
0xbe: {  	s0 =	sor.u32 s1, s0  }
0xbf: {  	s0 =	sadd.s32 $0x8F2B, s0  }
0xc0: {  	[sflag:s0] =	ssyncadd.remote.s32 $0x1  }
0xc1: {  	_ =	sfence.sel $0xFFFF  }
0xc2: {  	[dreg:$0x0] =	wrdreg $0xFFFFFFFF;
	(pc) =	sbr.abs _section_cstart, $3  }
0xc3: {  	[dreg:$0x1] =	wrdreg $0xFFFFFFFF  }
0xc4: {  	_ =	task.clear_ibuf [dreg:s9], $0x2FFFF;
	_ =	strace $0x9FFFFFFF  }
0xc5: {  	(tm) =	ssettm $0x7FFFFFFF  }
tec
execute0_lowered:
.L_overlay_start_1:
0x0: {  	(tag) =	ssettag $0x1  }
0x1: {  	s1 =	rddreg [dreg:$0x0]  }
0x2: {  	s0 =	srdreg.scid;
	s4 =	rddreg [dreg:$0x1]  }
0x3: {  	s10 =	stileid.u32;
	s8 =	rddreg [dreg:$0x2]  }
0x4: {  	s5 =	simm.s32 $0x0;
	s12 =	simm.s32 $0x80;
	s13 =	simm.s32 $0x400  }
0x5: {  	s14 =	simm.s32 $0x8280;
	s15 =	simm.s32 $0x10500;
	s0 =	sand.u32 $0x1, s0  }
0x6: {  	s16 =	simm.s32 $0x18700;
	s17 =	simm.s32 $0x8;
	s2 =	sshll.u32 s0, $0x4  }
0x7: {  	s18 =	simm.s32 $0x19700;
	s19 =	simm.s32 $0x1;
	s3 =	sor.u32 s10, s2  }
0x8: {  	s20 =	simm.s32 $0x2;
	s21 =	simm.s32 $0x3;
	s2 =	sshrl.u32 s3, $0x3  }
0x9: {  	s22 =	simm.s32 $0x1A700;
	s6 =	sshll.u32 s10, $0x7;
	s2 =	smul.u32 $0xC3800, s2  }
0xa: {  	s23 =	simm.s32 $0x5;
	s24 =	simm.s32 $0x6;
	s6 =	sand.u32 $0x380, s6  }
0xb: {  	s25 =	simm.s32 $0x7;
	s26 =	simm.s32 $0x0;
	s2 =	sor.u32 s6, s2  }
0xc: {  	[smem:$0x7FF] =	sst s5;
	s0 =	ssub.s32 $0x2, s0;
	s2 =	sshrl.u32 s2, $0x3  }
0xd: {  	s29 =	sshll.u32 s10, $0x4;
	s9 =	sshrl.u32 s0, $0x1;
	s7 =	sadd.s32 s1, s2  }
0xe: {  	_ =	strace $0x80000047;
	s0 =	ssub.s32 s0, s9;
	s30 =	sadd.s32 $0x8280, s7  }
0xf: {  	s2 =	sand.u32 $0x70, s29;
	s31 =	sadd.s32 $0x10500, s7;
	[dreg:$0x4] =	wrdreg s30  }
0x10: {  	s11 =	smax.u32 s0, $0x1;
	s10 =	sadd.s32 s8, s2;
	[dreg:$0x5] =	wrdreg s31  }
.LBB2_1:
0x11: {  	[tilespmem:s5], [sflag:$0x1] =	stream.strided.gather [hbm4b:s7+s12], $0x8280, s13, s12, $0x38;
	[tilespmem:$0x1C700] =	vst v63  }
0x12: {  	s0 =	rddreg [dreg:$0x4]  }
0x13: {  	[tilespmem:s14], [sflag:$0x2] =	stream.strided.gather [hbm4b:s0+s12], $0x8280, s13, s12, $0x38;
	[tilespmem:$0x1C700] =	vst v63  }
0x14: {  	s31 =	rddreg [dreg:$0x5]  }
0x15: {  	[tilespmem:s15], [sflag:$0x3] =	stream.strided.gather [hbm4b:s31+s12], $0x8200, s13, s12, $0x38;
	[tilespmem:$0x1C700] =	vst v63  }
0x16: {  	_ = 	snop  }
0x17: {  	[tilespmem:s16], [sflag:$0x8] =	stream.strided.gather [hbm4b:s4+s12], $0x1000, s13, s12, $0x38;
	[tilespmem:$0x1C700] =	vst v63  }
0x18: {  	_ =	swait.ge [sflag:s17], $0x1000  }
0x19: {  	[sflag:s17] =	ssyncset.done $0x0  }
0x1a: {  	s28 =	simm.s32 $0x0;
	[sflag:s17] =	ssyncadd.s32 $0xFFFFF000  }
.LBB2_2:
0x1b: {  	p0 =	seq.s32 s28, $0x0;
	s0 =	sshll.u32 s28, $0xA  }
0x1c: {  	s8 =	sshll.u32 s28, $0x5;
	s2 =	simm.s32 @!p0 $0x6;
	s0 =	sand.u32 $0x3000, s0  }
0x1d: {  	s8 =	sand.u32 $0x60, s8;
	_ =	swait.ge @!p0 [sflag:s2], $0x1000;
	s0 =	sadd.s32 s4, s0  }
0x1e: {  	[sflag:s2] =	ssyncset.done @!p0 $0x0;
	s0 =	sadd.s32 s8, s0  }
0x1f: {  	[sflag:s2] =	ssyncadd.s32 @!p0 $0xFFFFF000;
	s0 =	sadd.s32 $0x10, s0  }
0x20: {  	[tilespmem:s18], [sflag:$0x5] =	stream.strided.gather [hbm4b:s0+s12], $0x1000, s13, s12, $0x38;
	[tilespmem:$0x1C700] =	vst v63  }
0x21: {  	_ =	swait.ge [sflag:s19], $0x8280  }
0x22: {  	[sflag:s19] =	ssyncset.done $0x0  }
0x23: {  	s0 =	simm.s32 $0x0;
	[sflag:s19] =	ssyncadd.s32 $0xFFFF7D80  }
0x24: {  	v0 =	vld [tilespmem:s0+$0x18700];
	_ =	sdelay $0x4  }
0x25: {  	vm0 =	vlt.s32 v0, $0x8280  }
0x26: {  	v1 =	vld [tilespmem:s0+$0x18710];
	_ =	sdelay $0x4  }
0x27: {  	v0 =	vld.idx.msk [tilespmem:v0+s5+$0x0], vm0;
	vm0 =	vlt.s32 v1, $0x8280  }
0x28: {  	v2 =	vld [tilespmem:s0+$0x18720];
	_ =	sdelay $0x3  }
0x29: {  	[tilespmem:s0+$0x1A700] =	vst v0  }
0x2a: {  	v0 =	vld.idx.msk [tilespmem:v1+s5+$0x0], vm0;
	vm0 =	vlt.s32 v2, $0x8280  }
0x2b: {  	v1 =	vld [tilespmem:s0+$0x18730];
	_ =	sdelay $0x3  }
0x2c: {  	[tilespmem:s0+$0x1A710] =	vst v0  }
0x2d: {  	v0 =	vld.idx.msk [tilespmem:v2+s5+$0x0], vm0;
	vm0 =	vlt.s32 v1, $0x8280  }
0x2e: {  	v2 =	vld [tilespmem:s0+$0x18740];
	_ =	sdelay $0x3  }
0x2f: {  	[tilespmem:s0+$0x1A720] =	vst v0  }
0x30: {  	v0 =	vld.idx.msk [tilespmem:v1+s5+$0x0], vm0;
	vm0 =	vlt.s32 v2, $0x8280  }
0x31: {  	v1 =	vld [tilespmem:s0+$0x18750];
	_ =	sdelay $0x3  }
0x32: {  	[tilespmem:s0+$0x1A730] =	vst v0  }
0x33: {  	v0 =	vld.idx.msk [tilespmem:v2+s5+$0x0], vm0;
	vm0 =	vlt.s32 v1, $0x8280  }
0x34: {  	v2 =	vld [tilespmem:s0+$0x18760];
	_ =	sdelay $0x3  }
0x35: {  	[tilespmem:s0+$0x1A740] =	vst v0  }
0x36: {  	v1 =	vld.idx.msk [tilespmem:v1+s5+$0x0], vm0;
	vm0 =	vlt.s32 v2, $0x8280  }
0x37: {  	v0 =	vld [tilespmem:s0+$0x18770];
	_ =	sdelay $0x3  }
0x38: {  	s9 =	sshll.u32 s28, $0x6;
	[tilespmem:s0+$0x1A750] =	vst v1  }
0x39: {  	s31 =	sshll.u32 s28, $0x1;
	s30 =	sor.u32 s3, s9;
	v1 =	vld.idx.msk [tilespmem:v2+s5+$0x0], vm0;
	vm0 =	vlt.s32 v0, $0x8280  }
0x3a: {  	s29 =	sor.u32 $0x20, s30;
	s8 =	simm.s32 $0x80;
	s2 =	simm.s32 $0x400  }
.LBB2_3:
0x3b: {  	p1 =	sne.s32 s2, $0x3E00;
	v2 =	vld [tilespmem:s8+$0x18700];
	_ =	sdelay $0x2  }
0x3c: {  	[tilespmem:s0+$0x1A760] =	vst v1  }
0x3d: {  	v0 =	vld.idx.msk [tilespmem:v0+s5+$0x0], vm0  }
0x3e: {  	vm0 =	vlt.s32 v2, $0x8280;
	_ =	sdelay $0x1  }
0x3f: {  	v1 =	vld [tilespmem:s8+$0x18710];
	_ =	sdelay $0x2  }
0x40: {  	[tilespmem:s0+$0x1A770] =	vst v0;
	s0 =	smov.u32 s8  }
0x41: {  	v0 =	vld.idx.msk [tilespmem:v2+s5+$0x0], vm0  }
0x42: {  	vm0 =	vlt.s32 v1, $0x8280;
	_ =	sdelay $0x1  }
0x43: {  	v2 =	vld [tilespmem:s0+$0x18720];
	_ =	sdelay $0x2  }
0x44: {  	[tilespmem:s0+$0x1A700] =	vst v0  }
0x45: {  	v0 =	vld.idx.msk [tilespmem:v1+s5+$0x0], vm0  }
0x46: {  	vm0 =	vlt.s32 v2, $0x8280;
	_ =	sdelay $0x1  }
0x47: {  	v1 =	vld [tilespmem:s0+$0x18730];
	_ =	sdelay $0x2  }
0x48: {  	[tilespmem:s0+$0x1A710] =	vst v0  }
0x49: {  	v0 =	vld.idx.msk [tilespmem:v2+s5+$0x0], vm0  }
0x4a: {  	vm0 =	vlt.s32 v1, $0x8280;
	_ =	sdelay $0x1  }
0x4b: {  	v2 =	vld [tilespmem:s0+$0x18740];
	_ =	sdelay $0x2  }
0x4c: {  	[tilespmem:s0+$0x1A720] =	vst v0  }
0x4d: {  	v0 =	vld.idx.msk [tilespmem:v1+s5+$0x0], vm0  }
0x4e: {  	vm0 =	vlt.s32 v2, $0x8280;
	_ =	sdelay $0x1  }
0x4f: {  	v1 =	vld [tilespmem:s0+$0x18750];
	_ =	sdelay $0x2  }
0x50: {  	[tilespmem:s0+$0x1A730] =	vst v0  }
0x51: {  	v0 =	vld.idx.msk [tilespmem:v2+s5+$0x0], vm0  }
0x52: {  	vm0 =	vlt.s32 v1, $0x8280;
	_ =	sdelay $0x1  }
0x53: {  	v2 =	vld [tilespmem:s0+$0x18760];
	_ =	sdelay $0x2  }
0x54: {  	[tilespmem:s0+$0x1A740] =	vst v0  }
0x55: {  	v1 =	vld.idx.msk [tilespmem:v1+s5+$0x0], vm0  }
0x56: {  	vm0 =	vlt.s32 v2, $0x8280;
	_ =	sdelay $0x1  }
0x57: {  	v0 =	vld [tilespmem:s0+$0x18770];
	_ =	sdelay $0x1  }
.Ltmp0:
0x58: {  	(pc) =	sbr.rel @p1 .LBB2_3-.Ltmp0, $4  }
0x59: {  	[tilespmem:s0+$0x1A750] =	vst v1  }
0x5a: {  	v1 =	vld.idx.msk [tilespmem:v2+s5+$0x0], vm0  }
0x5b: {  	vm0 =	vlt.s32 v0, $0x8280  }
0x5c: {  	s8 =	sshra.s32 s2, $0x2;
	s2 =	sadd.s32 $0x200, s2  }
0x5d: {  	v2 =	vld [tilespmem:s8+$0x18700];
	_ =	sdelay $0x3  }
0x5e: {  	[tilespmem:s0+$0x1A760] =	vst v1  }
0x5f: {  	v0 =	vld.idx.msk [tilespmem:v0+s5+$0x0], vm0;
	vm0 =	vlt.s32 v2, $0x8280  }
0x60: {  	v1 =	vld [tilespmem:s8+$0x18710];
	_ =	sdelay $0x3  }
0x61: {  	[tilespmem:s0+$0x1A770] =	vst v0  }
0x62: {  	v0 =	vld.idx.msk [tilespmem:v2+s5+$0x0], vm0;
	vm0 =	vlt.s32 v1, $0x8280  }
0x63: {  	v2 =	vld [tilespmem:s8+$0x18720];
	_ =	sdelay $0x3  }
0x64: {  	[tilespmem:s8+$0x1A700] =	vst v0  }
0x65: {  	v0 =	vld.idx.msk [tilespmem:v1+s5+$0x0], vm0;
	vm0 =	vlt.s32 v2, $0x8280  }
0x66: {  	v1 =	vld [tilespmem:s8+$0x18730];
	_ =	sdelay $0x3  }
0x67: {  	[tilespmem:s8+$0x1A710] =	vst v0  }
0x68: {  	v0 =	vld.idx.msk [tilespmem:v2+s5+$0x0], vm0;
	vm0 =	vlt.s32 v1, $0x8280  }
0x69: {  	v2 =	vld [tilespmem:s8+$0x18740];
	_ =	sdelay $0x3  }
0x6a: {  	[tilespmem:s8+$0x1A720] =	vst v0  }
0x6b: {  	v0 =	vld.idx.msk [tilespmem:v1+s5+$0x0], vm0;
	vm0 =	vlt.s32 v2, $0x8280  }
0x6c: {  	v1 =	vld [tilespmem:s8+$0x18750];
	_ =	sdelay $0x3  }
0x6d: {  	[tilespmem:s8+$0x1A730] =	vst v0  }
0x6e: {  	v0 =	vld.idx.msk [tilespmem:v2+s5+$0x0], vm0;
	vm0 =	vlt.s32 v1, $0x8280  }
0x6f: {  	v2 =	vld [tilespmem:s8+$0x18760];
	_ =	sdelay $0x3  }
0x70: {  	[tilespmem:s8+$0x1A740] =	vst v0  }
0x71: {  	v0 =	vld.idx.msk [tilespmem:v1+s5+$0x0], vm0;
	vm0 =	vlt.s32 v2, $0x8280  }
0x72: {  	v1 =	vld [tilespmem:s8+$0x18770];
	_ =	sdelay $0x3  }
0x73: {  	[tilespmem:s8+$0x1A750] =	vst v0  }
0x74: {  	v0 =	vld.idx.msk [tilespmem:v2+s5+$0x0], vm0;
	vm0 =	vlt.s32 v1, $0x8280;
	_ =	sdelay $0x4  }
0x75: {  	[tilespmem:s8+$0x1A760] =	vst v0  }
0x76: {  	s2 =	sshrl.u32 s29, $0x3;
	v0 =	vld.idx.msk [tilespmem:v1+s5+$0x0], vm0  }
0x77: {  	s0 =	smul.u32 $0xC3800, s2;
	_ =	sdelay $0x1  }
0x78: {  	s0 =	sor.u32 s6, s0  }
0x79: {  	s0 =	sshrl.u32 s0, $0x3  }
0x7a: {  	s9 =	simm.s32 $0x0;
	s2 =	sadd.s32 s1, s0;
	[tilespmem:s8+$0x1A770] =	vst v0  }
0x7b: {  	[tilespmem:s9], [sflag:$0x1] =	stream.strided.gather [hbm4b:s2+s12], $0x8280, s13, s12, $0x38;
	[tilespmem:$0x1C700] =	vst v63  }
0x7c: {  	_ =	swait.ge [sflag:s20], $0x8280  }
0x7d: {  	[sflag:s20] =	ssyncset.done $0x0  }
0x7e: {  	s0 =	simm.s32 $0x0;
	[sflag:s20] =	ssyncadd.s32 $0xFFFF7D80  }
0x7f: {  	v0 =	vld [tilespmem:s0+$0x18700];
	_ =	sdelay $0x4  }
0x80: {  	v0 =	vadd.s32 $0xFFFF7D80, v0  }
0x81: {  	vm0 =	vlt.u32 v0, $0x8280  }
0x82: {  	v1 =	vld [tilespmem:s0+$0x18710];
	_ =	sdelay $0x3  }
0x83: {  	v2 =	vld [tilespmem:s0+$0x1A700]  }
0x84: {  	v1 =	vadd.s32 $0xFFFF7D80, v1;
	v0 =	vld.idx.msk [tilespmem:v0+s14+$0x0], vm0  }
0x85: {  	vm1 =	vlt.u32 v1, $0x8280;
	_ =	sdelay $0x1  }
0x86: {  	v3 =	vld [tilespmem:s0+$0x18720];
	_ =	sdelay $0x1  }
0x87: {  	v0 =	vsel vm0, v0, v2  }
0x88: {  	[tilespmem:s0+$0x1A700] =	vst v0  }
0x89: {  	v0 =	vld.idx.msk [tilespmem:v1+s14+$0x0], vm1  }
0x8a: {  	v2 =	vadd.s32 $0xFFFF7D80, v3;
	v1 =	vld [tilespmem:s0+$0x1A710]  }
0x8b: {  	vm0 =	vlt.u32 v2, $0x8280  }
0x8c: {  	v3 =	vld [tilespmem:s0+$0x18730];
	_ =	sdelay $0x2  }
0x8d: {  	v0 =	vsel vm1, v0, v1  }
0x8e: {  	v1 =	vld [tilespmem:s0+$0x1A720];
	[tilespmem:s0+$0x1A710] =	vst v0  }
0x8f: {  	v0 =	vld.idx.msk [tilespmem:v2+s14+$0x0], vm0;
	v2 =	vadd.s32 $0xFFFF7D80, v3  }
0x90: {  	vm1 =	vlt.u32 v2, $0x8280  }
0x91: {  	v3 =	vld [tilespmem:s0+$0x18740];
	_ =	sdelay $0x2  }
0x92: {  	v0 =	vsel vm0, v0, v1  }
0x93: {  	v1 =	vld [tilespmem:s0+$0x1A730];
	[tilespmem:s0+$0x1A720] =	vst v0  }
0x94: {  	v0 =	vld.idx.msk [tilespmem:v2+s14+$0x0], vm1;
	v2 =	vadd.s32 $0xFFFF7D80, v3  }
0x95: {  	vm0 =	vlt.u32 v2, $0x8280  }
0x96: {  	v3 =	vld [tilespmem:s0+$0x18750];
	_ =	sdelay $0x2  }
0x97: {  	v0 =	vsel vm1, v0, v1  }
0x98: {  	v1 =	vld [tilespmem:s0+$0x1A740];
	[tilespmem:s0+$0x1A730] =	vst v0  }
0x99: {  	v0 =	vld.idx.msk [tilespmem:v2+s14+$0x0], vm0;
	v2 =	vadd.s32 $0xFFFF7D80, v3  }
0x9a: {  	vm1 =	vlt.u32 v2, $0x8280  }
0x9b: {  	v3 =	vld [tilespmem:s0+$0x18760];
	_ =	sdelay $0x2  }
0x9c: {  	v0 =	vsel vm0, v0, v1  }
0x9d: {  	v1 =	vld [tilespmem:s0+$0x1A750];
	[tilespmem:s0+$0x1A740] =	vst v0  }
0x9e: {  	v0 =	vld.idx.msk [tilespmem:v2+s14+$0x0], vm1;
	v2 =	vadd.s32 $0xFFFF7D80, v3  }
0x9f: {  	vm0 =	vlt.u32 v2, $0x8280;
	_ =	sdelay $0x1  }
0xa0: {  	v3 =	vld [tilespmem:s0+$0x18770];
	_ =	sdelay $0x1  }
0xa1: {  	v0 =	vsel vm1, v0, v1  }
0xa2: {  	[tilespmem:s0+$0x1A750] =	vst v0  }
0xa3: {  	v1 =	vld.idx.msk [tilespmem:v2+s14+$0x0], vm0  }
0xa4: {  	v0 =	vadd.s32 $0xFFFF7D80, v3;
	v2 =	vld [tilespmem:s0+$0x1A760]  }
0xa5: {  	vm1 =	vlt.u32 v0, $0x8280  }
0xa6: {  	s8 =	simm.s32 $0x400;
	s9 =	simm.s32 $0x80  }
.LBB2_5:
0xa7: {  	p1 =	sne.s32 s8, $0x3E00;
	v3 =	vld [tilespmem:s9+$0x18700];
	_ =	sdelay $0x1  }
0xa8: {  	v1 =	vsel vm0, v1, v2  }
0xa9: {  	[tilespmem:s0+$0x1A760] =	vst v1  }
0xaa: {  	v0 =	vld.idx.msk [tilespmem:v0+s14+$0x0], vm1  }
0xab: {  	v1 =	vadd.s32 $0xFFFF7D80, v3;
	v2 =	vld [tilespmem:s0+$0x1A770]  }
0xac: {  	vm0 =	vlt.u32 v1, $0x8280;
	_ =	sdelay $0x1  }
0xad: {  	v3 =	vld [tilespmem:s9+$0x18710];
	_ =	sdelay $0x1  }
0xae: {  	v0 =	vsel vm1, v0, v2  }
0xaf: {  	[tilespmem:s0+$0x1A770] =	vst v0;
	s0 =	smov.u32 s9  }
0xb0: {  	v0 =	vld.idx.msk [tilespmem:v1+s14+$0x0], vm0  }
0xb1: {  	v1 =	vld [tilespmem:s0+$0x1A700];
	v2 =	vadd.s32 $0xFFFF7D80, v3  }
0xb2: {  	vm1 =	vlt.u32 v2, $0x8280;
	_ =	sdelay $0x1  }
0xb3: {  	v3 =	vld [tilespmem:s0+$0x18720];
	_ =	sdelay $0x1  }
0xb4: {  	v0 =	vsel vm0, v0, v1  }
0xb5: {  	[tilespmem:s0+$0x1A700] =	vst v0  }
0xb6: {  	v0 =	vld.idx.msk [tilespmem:v2+s14+$0x0], vm1  }
0xb7: {  	v1 =	vld [tilespmem:s0+$0x1A710];
	v2 =	vadd.s32 $0xFFFF7D80, v3  }
0xb8: {  	vm0 =	vlt.u32 v2, $0x8280;
	_ =	sdelay $0x1  }
0xb9: {  	v3 =	vld [tilespmem:s0+$0x18730];
	_ =	sdelay $0x1  }
0xba: {  	v0 =	vsel vm1, v0, v1  }
0xbb: {  	[tilespmem:s0+$0x1A710] =	vst v0  }
0xbc: {  	v0 =	vld.idx.msk [tilespmem:v2+s14+$0x0], vm0  }
0xbd: {  	v1 =	vld [tilespmem:s0+$0x1A720];
	v2 =	vadd.s32 $0xFFFF7D80, v3  }
0xbe: {  	vm1 =	vlt.u32 v2, $0x8280;
	_ =	sdelay $0x1  }
0xbf: {  	v3 =	vld [tilespmem:s0+$0x18740];
	_ =	sdelay $0x1  }
0xc0: {  	v0 =	vsel vm0, v0, v1  }
0xc1: {  	[tilespmem:s0+$0x1A720] =	vst v0  }
0xc2: {  	v0 =	vld.idx.msk [tilespmem:v2+s14+$0x0], vm1  }
0xc3: {  	v1 =	vld [tilespmem:s0+$0x1A730];
	v2 =	vadd.s32 $0xFFFF7D80, v3  }
0xc4: {  	vm0 =	vlt.u32 v2, $0x8280;
	_ =	sdelay $0x1  }
0xc5: {  	v3 =	vld [tilespmem:s0+$0x18750];
	_ =	sdelay $0x1  }
0xc6: {  	v0 =	vsel vm1, v0, v1  }
0xc7: {  	[tilespmem:s0+$0x1A730] =	vst v0  }
0xc8: {  	v0 =	vld.idx.msk [tilespmem:v2+s14+$0x0], vm0  }
0xc9: {  	v1 =	vld [tilespmem:s0+$0x1A740];
	v2 =	vadd.s32 $0xFFFF7D80, v3  }
0xca: {  	vm1 =	vlt.u32 v2, $0x8280;
	_ =	sdelay $0x1  }
0xcb: {  	v3 =	vld [tilespmem:s0+$0x18760];
	_ =	sdelay $0x1  }
0xcc: {  	v0 =	vsel vm0, v0, v1  }
0xcd: {  	[tilespmem:s0+$0x1A740] =	vst v0  }
0xce: {  	v0 =	vld.idx.msk [tilespmem:v2+s14+$0x0], vm1  }
0xcf: {  	v1 =	vld [tilespmem:s0+$0x1A750];
	v2 =	vadd.s32 $0xFFFF7D80, v3  }
0xd0: {  	vm0 =	vlt.u32 v2, $0x8280;
	_ =	sdelay $0x1  }
0xd1: {  	v3 =	vld [tilespmem:s0+$0x18770];
	_ =	sdelay $0x1  }
0xd2: {  	v0 =	vsel vm1, v0, v1  }
.Ltmp1:
0xd3: {  	[tilespmem:s0+$0x1A750] =	vst v0;
	(pc) =	sbr.rel @p1 .LBB2_5-.Ltmp1, $4  }
0xd4: {  	v1 =	vld.idx.msk [tilespmem:v2+s14+$0x0], vm0  }
0xd5: {  	v2 =	vld [tilespmem:s0+$0x1A760];
	v0 =	vadd.s32 $0xFFFF7D80, v3  }
0xd6: {  	vm1 =	vlt.u32 v0, $0x8280  }
0xd7: {  	s9 =	sshra.s32 s8, $0x2;
	s8 =	sadd.s32 $0x200, s8  }
0xd8: {  	v3 =	vld [tilespmem:s9+$0x18700];
	_ =	sdelay $0x2  }
0xd9: {  	v1 =	vsel vm0, v1, v2  }
0xda: {  	v2 =	vld [tilespmem:s0+$0x1A770];
	[tilespmem:s0+$0x1A760] =	vst v1  }
0xdb: {  	v0 =	vld.idx.msk [tilespmem:v0+s14+$0x0], vm1;
	v1 =	vadd.s32 $0xFFFF7D80, v3  }
0xdc: {  	vm0 =	vlt.u32 v1, $0x8280;
	_ =	sdelay $0x1  }
0xdd: {  	v3 =	vld [tilespmem:s9+$0x18710];
	_ =	sdelay $0x1  }
0xde: {  	v0 =	vsel vm1, v0, v2  }
0xdf: {  	[tilespmem:s0+$0x1A770] =	vst v0  }
0xe0: {  	v0 =	vld.idx.msk [tilespmem:v1+s14+$0x0], vm0  }
0xe1: {  	v2 =	vadd.s32 $0xFFFF7D80, v3;
	v1 =	vld [tilespmem:s9+$0x1A700]  }
0xe2: {  	vm1 =	vlt.u32 v2, $0x8280  }
0xe3: {  	v3 =	vld [tilespmem:s9+$0x18720];
	_ =	sdelay $0x2  }
0xe4: {  	v0 =	vsel vm0, v0, v1  }
0xe5: {  	v1 =	vld [tilespmem:s9+$0x1A710];
	[tilespmem:s9+$0x1A700] =	vst v0  }
0xe6: {  	v0 =	vld.idx.msk [tilespmem:v2+s14+$0x0], vm1;
	v2 =	vadd.s32 $0xFFFF7D80, v3  }
0xe7: {  	vm0 =	vlt.u32 v2, $0x8280  }
0xe8: {  	v3 =	vld [tilespmem:s9+$0x18730];
	_ =	sdelay $0x2  }
0xe9: {  	v0 =	vsel vm1, v0, v1  }
0xea: {  	v1 =	vld [tilespmem:s9+$0x1A720];
	[tilespmem:s9+$0x1A710] =	vst v0  }
0xeb: {  	v0 =	vld.idx.msk [tilespmem:v2+s14+$0x0], vm0;
	v2 =	vadd.s32 $0xFFFF7D80, v3  }
0xec: {  	vm1 =	vlt.u32 v2, $0x8280  }
0xed: {  	v3 =	vld [tilespmem:s9+$0x18740];
	_ =	sdelay $0x2  }
0xee: {  	v0 =	vsel vm0, v0, v1  }
0xef: {  	v1 =	vld [tilespmem:s9+$0x1A730];
	[tilespmem:s9+$0x1A720] =	vst v0  }
0xf0: {  	v0 =	vld.idx.msk [tilespmem:v2+s14+$0x0], vm1;
	v2 =	vadd.s32 $0xFFFF7D80, v3  }
0xf1: {  	vm0 =	vlt.u32 v2, $0x8280  }
0xf2: {  	v3 =	vld [tilespmem:s9+$0x18750];
	_ =	sdelay $0x2  }
0xf3: {  	v0 =	vsel vm1, v0, v1  }
0xf4: {  	v1 =	vld [tilespmem:s9+$0x1A740];
	[tilespmem:s9+$0x1A730] =	vst v0  }
0xf5: {  	v0 =	vld.idx.msk [tilespmem:v2+s14+$0x0], vm0;
	v2 =	vadd.s32 $0xFFFF7D80, v3  }
0xf6: {  	vm1 =	vlt.u32 v2, $0x8280  }
0xf7: {  	v3 =	vld [tilespmem:s9+$0x18760];
	_ =	sdelay $0x2  }
0xf8: {  	v0 =	vsel vm0, v0, v1  }
0xf9: {  	v1 =	vld [tilespmem:s9+$0x1A750];
	[tilespmem:s9+$0x1A740] =	vst v0  }
0xfa: {  	v0 =	vld.idx.msk [tilespmem:v2+s14+$0x0], vm1;
	v2 =	vadd.s32 $0xFFFF7D80, v3  }
0xfb: {  	vm0 =	vlt.u32 v2, $0x8280  }
0xfc: {  	v3 =	vld [tilespmem:s9+$0x18770];
	_ =	sdelay $0x2  }
0xfd: {  	v0 =	vsel vm1, v0, v1  }
0xfe: {  	v1 =	vld [tilespmem:s9+$0x1A760];
	[tilespmem:s9+$0x1A750] =	vst v0  }
0xff: {  	v0 =	vld.idx.msk [tilespmem:v2+s14+$0x0], vm0;
	v2 =	vadd.s32 $0xFFFF7D80, v3  }
0x100: {  	vm1 =	vlt.u32 v2, $0x8280;
	_ =	sdelay $0x3  }
0x101: {  	v0 =	vsel vm0, v0, v1  }
0x102: {  	v1 =	vld [tilespmem:s9+$0x1A770];
	[tilespmem:s9+$0x1A760] =	vst v0  }
0x103: {  	v0 =	vld.idx.msk [tilespmem:v2+s14+$0x0], vm1;
	_ =	sdelay $0x4  }
0x104: {  	v0 =	vsel vm1, v0, v1  }
0x105: {  	[tilespmem:s9+$0x1A770] =	vst v0;
	s9 =	sadd.s32 $0x8280, s2  }
0x106: {  	[tilespmem:s14], [sflag:$0x2] =	stream.strided.gather [hbm4b:s9+s12], $0x8280, s13, s12, $0x38;
	[tilespmem:$0x1C700] =	vst v63  }
0x107: {  	_ =	swait.ge [sflag:s21], $0x8200  }
0x108: {  	[sflag:s21] =	ssyncset.done $0x0  }
0x109: {  	s0 =	simm.s32 $0x0;
	[sflag:s21] =	ssyncadd.s32 $0xFFFF7E00  }
0x10a: {  	v0 =	vld [tilespmem:s0+$0x18700];
	_ =	sdelay $0x4  }
0x10b: {  	v0 =	vadd.s32 $0xFFFEFB00, v0  }
0x10c: {  	vm0 =	vgt.s32 v0, $0xFFFFFFFF  }
0x10d: {  	v1 =	vld [tilespmem:s0+$0x18710];
	_ =	sdelay $0x3  }
0x10e: {  	v2 =	vld [tilespmem:s0+$0x1A700]  }
0x10f: {  	v1 =	vadd.s32 $0xFFFEFB00, v1;
	v0 =	vld.idx.msk [tilespmem:v0+s15+$0x0], vm0  }
0x110: {  	vm1 =	vgt.s32 v1, $0xFFFFFFFF;
	_ =	sdelay $0x1  }
0x111: {  	v3 =	vld [tilespmem:s0+$0x18720];
	_ =	sdelay $0x1  }
0x112: {  	v0 =	vsel vm0, v0, v2  }
0x113: {  	[tilespmem:s0+$0x1A700] =	vst v0  }
0x114: {  	v0 =	vld.idx.msk [tilespmem:v1+s15+$0x0], vm1  }
0x115: {  	v2 =	vadd.s32 $0xFFFEFB00, v3;
	v1 =	vld [tilespmem:s0+$0x1A710]  }
0x116: {  	vm0 =	vgt.s32 v2, $0xFFFFFFFF  }
0x117: {  	v3 =	vld [tilespmem:s0+$0x18730];
	_ =	sdelay $0x2  }
0x118: {  	v0 =	vsel vm1, v0, v1  }
0x119: {  	v1 =	vld [tilespmem:s0+$0x1A720];
	[tilespmem:s0+$0x1A710] =	vst v0  }
0x11a: {  	v0 =	vld.idx.msk [tilespmem:v2+s15+$0x0], vm0;
	v2 =	vadd.s32 $0xFFFEFB00, v3  }
0x11b: {  	vm1 =	vgt.s32 v2, $0xFFFFFFFF  }
0x11c: {  	v3 =	vld [tilespmem:s0+$0x18740];
	_ =	sdelay $0x2  }
0x11d: {  	v0 =	vsel vm0, v0, v1  }
0x11e: {  	v1 =	vld [tilespmem:s0+$0x1A730];
	[tilespmem:s0+$0x1A720] =	vst v0  }
0x11f: {  	v0 =	vld.idx.msk [tilespmem:v2+s15+$0x0], vm1;
	v2 =	vadd.s32 $0xFFFEFB00, v3  }
0x120: {  	vm0 =	vgt.s32 v2, $0xFFFFFFFF  }
0x121: {  	v3 =	vld [tilespmem:s0+$0x18750];
	_ =	sdelay $0x2  }
0x122: {  	v0 =	vsel vm1, v0, v1  }
0x123: {  	v1 =	vld [tilespmem:s0+$0x1A740];
	[tilespmem:s0+$0x1A730] =	vst v0  }
0x124: {  	v0 =	vld.idx.msk [tilespmem:v2+s15+$0x0], vm0;
	v2 =	vadd.s32 $0xFFFEFB00, v3  }
0x125: {  	vm1 =	vgt.s32 v2, $0xFFFFFFFF  }
0x126: {  	v3 =	vld [tilespmem:s0+$0x18760];
	_ =	sdelay $0x2  }
0x127: {  	v0 =	vsel vm0, v0, v1  }
0x128: {  	v1 =	vld [tilespmem:s0+$0x1A750];
	[tilespmem:s0+$0x1A740] =	vst v0  }
0x129: {  	v0 =	vld.idx.msk [tilespmem:v2+s15+$0x0], vm1;
	v2 =	vadd.s32 $0xFFFEFB00, v3  }
0x12a: {  	vm0 =	vgt.s32 v2, $0xFFFFFFFF;
	_ =	sdelay $0x1  }
0x12b: {  	v3 =	vld [tilespmem:s0+$0x18770];
	_ =	sdelay $0x1  }
0x12c: {  	v0 =	vsel vm1, v0, v1  }
0x12d: {  	[tilespmem:s0+$0x1A750] =	vst v0  }
0x12e: {  	v1 =	vld.idx.msk [tilespmem:v2+s15+$0x0], vm0  }
0x12f: {  	v0 =	vadd.s32 $0xFFFEFB00, v3;
	v2 =	vld [tilespmem:s0+$0x1A760]  }
0x130: {  	vm1 =	vgt.s32 v0, $0xFFFFFFFF  }
0x131: {  	s8 =	simm.s32 $0x400;
	s9 =	simm.s32 $0x80  }
.LBB2_7:
0x132: {  	p1 =	sne.s32 s8, $0x3E00;
	v3 =	vld [tilespmem:s9+$0x18700];
	_ =	sdelay $0x1  }
0x133: {  	v1 =	vsel vm0, v1, v2  }
0x134: {  	[tilespmem:s0+$0x1A760] =	vst v1  }
0x135: {  	v0 =	vld.idx.msk [tilespmem:v0+s15+$0x0], vm1  }
0x136: {  	v1 =	vadd.s32 $0xFFFEFB00, v3;
	v2 =	vld [tilespmem:s0+$0x1A770]  }
0x137: {  	vm0 =	vgt.s32 v1, $0xFFFFFFFF;
	_ =	sdelay $0x1  }
0x138: {  	v3 =	vld [tilespmem:s9+$0x18710];
	_ =	sdelay $0x1  }
0x139: {  	v0 =	vsel vm1, v0, v2  }
0x13a: {  	[tilespmem:s0+$0x1A770] =	vst v0;
	s0 =	smov.u32 s9  }
0x13b: {  	v0 =	vld.idx.msk [tilespmem:v1+s15+$0x0], vm0  }
0x13c: {  	v1 =	vld [tilespmem:s0+$0x1A700];
	v2 =	vadd.s32 $0xFFFEFB00, v3  }
0x13d: {  	vm1 =	vgt.s32 v2, $0xFFFFFFFF;
	_ =	sdelay $0x1  }
0x13e: {  	v3 =	vld [tilespmem:s0+$0x18720];
	_ =	sdelay $0x1  }
0x13f: {  	v0 =	vsel vm0, v0, v1  }
0x140: {  	[tilespmem:s0+$0x1A700] =	vst v0  }
0x141: {  	v0 =	vld.idx.msk [tilespmem:v2+s15+$0x0], vm1  }
0x142: {  	v1 =	vld [tilespmem:s0+$0x1A710];
	v2 =	vadd.s32 $0xFFFEFB00, v3  }
0x143: {  	vm0 =	vgt.s32 v2, $0xFFFFFFFF;
	_ =	sdelay $0x1  }
0x144: {  	v3 =	vld [tilespmem:s0+$0x18730];
	_ =	sdelay $0x1  }
0x145: {  	v0 =	vsel vm1, v0, v1  }
0x146: {  	[tilespmem:s0+$0x1A710] =	vst v0  }
0x147: {  	v0 =	vld.idx.msk [tilespmem:v2+s15+$0x0], vm0  }
0x148: {  	v1 =	vld [tilespmem:s0+$0x1A720];
	v2 =	vadd.s32 $0xFFFEFB00, v3  }
0x149: {  	vm1 =	vgt.s32 v2, $0xFFFFFFFF;
	_ =	sdelay $0x1  }
0x14a: {  	v3 =	vld [tilespmem:s0+$0x18740];
	_ =	sdelay $0x1  }
0x14b: {  	v0 =	vsel vm0, v0, v1  }
0x14c: {  	[tilespmem:s0+$0x1A720] =	vst v0  }
0x14d: {  	v0 =	vld.idx.msk [tilespmem:v2+s15+$0x0], vm1  }
0x14e: {  	v1 =	vld [tilespmem:s0+$0x1A730];
	v2 =	vadd.s32 $0xFFFEFB00, v3  }
0x14f: {  	vm0 =	vgt.s32 v2, $0xFFFFFFFF;
	_ =	sdelay $0x1  }
0x150: {  	v3 =	vld [tilespmem:s0+$0x18750];
	_ =	sdelay $0x1  }
0x151: {  	v0 =	vsel vm1, v0, v1  }
0x152: {  	[tilespmem:s0+$0x1A730] =	vst v0  }
0x153: {  	v0 =	vld.idx.msk [tilespmem:v2+s15+$0x0], vm0  }
0x154: {  	v1 =	vld [tilespmem:s0+$0x1A740];
	v2 =	vadd.s32 $0xFFFEFB00, v3  }
0x155: {  	vm1 =	vgt.s32 v2, $0xFFFFFFFF;
	_ =	sdelay $0x1  }
0x156: {  	v3 =	vld [tilespmem:s0+$0x18760];
	_ =	sdelay $0x1  }
0x157: {  	v0 =	vsel vm0, v0, v1  }
0x158: {  	[tilespmem:s0+$0x1A740] =	vst v0  }
0x159: {  	v0 =	vld.idx.msk [tilespmem:v2+s15+$0x0], vm1  }
0x15a: {  	v1 =	vld [tilespmem:s0+$0x1A750];
	v2 =	vadd.s32 $0xFFFEFB00, v3  }
0x15b: {  	vm0 =	vgt.s32 v2, $0xFFFFFFFF;
	_ =	sdelay $0x1  }
0x15c: {  	v3 =	vld [tilespmem:s0+$0x18770];
	_ =	sdelay $0x1  }
0x15d: {  	v0 =	vsel vm1, v0, v1  }
.Ltmp2:
0x15e: {  	[tilespmem:s0+$0x1A750] =	vst v0;
	(pc) =	sbr.rel @p1 .LBB2_7-.Ltmp2, $4  }
0x15f: {  	v1 =	vld.idx.msk [tilespmem:v2+s15+$0x0], vm0  }
0x160: {  	v2 =	vld [tilespmem:s0+$0x1A760];
	v0 =	vadd.s32 $0xFFFEFB00, v3  }
0x161: {  	vm1 =	vgt.s32 v0, $0xFFFFFFFF  }
0x162: {  	s9 =	sshra.s32 s8, $0x2;
	s8 =	sadd.s32 $0x200, s8  }
0x163: {  	v3 =	vld [tilespmem:s9+$0x18700];
	_ =	sdelay $0x2  }
0x164: {  	v1 =	vsel vm0, v1, v2  }
0x165: {  	v2 =	vld [tilespmem:s0+$0x1A770];
	[tilespmem:s0+$0x1A760] =	vst v1  }
0x166: {  	v0 =	vld.idx.msk [tilespmem:v0+s15+$0x0], vm1;
	v1 =	vadd.s32 $0xFFFEFB00, v3  }
0x167: {  	vm0 =	vgt.s32 v1, $0xFFFFFFFF;
	_ =	sdelay $0x1  }
0x168: {  	v3 =	vld [tilespmem:s9+$0x18710];
	_ =	sdelay $0x1  }
0x169: {  	v0 =	vsel vm1, v0, v2  }
0x16a: {  	[tilespmem:s0+$0x1A770] =	vst v0  }
0x16b: {  	v0 =	vld.idx.msk [tilespmem:v1+s15+$0x0], vm0  }
0x16c: {  	v2 =	vadd.s32 $0xFFFEFB00, v3;
	v1 =	vld [tilespmem:s9+$0x1A700]  }
0x16d: {  	vm1 =	vgt.s32 v2, $0xFFFFFFFF  }
0x16e: {  	v3 =	vld [tilespmem:s9+$0x18720];
	_ =	sdelay $0x2  }
0x16f: {  	v0 =	vsel vm0, v0, v1  }
0x170: {  	v1 =	vld [tilespmem:s9+$0x1A710];
	[tilespmem:s9+$0x1A700] =	vst v0  }
0x171: {  	v0 =	vld.idx.msk [tilespmem:v2+s15+$0x0], vm1;
	v2 =	vadd.s32 $0xFFFEFB00, v3  }
0x172: {  	vm0 =	vgt.s32 v2, $0xFFFFFFFF  }
0x173: {  	v3 =	vld [tilespmem:s9+$0x18730];
	_ =	sdelay $0x2  }
0x174: {  	v0 =	vsel vm1, v0, v1  }
0x175: {  	v1 =	vld [tilespmem:s9+$0x1A720];
	[tilespmem:s9+$0x1A710] =	vst v0  }
0x176: {  	v0 =	vld.idx.msk [tilespmem:v2+s15+$0x0], vm0;
	v2 =	vadd.s32 $0xFFFEFB00, v3  }
0x177: {  	vm1 =	vgt.s32 v2, $0xFFFFFFFF  }
0x178: {  	v3 =	vld [tilespmem:s9+$0x18740];
	_ =	sdelay $0x2  }
0x179: {  	v0 =	vsel vm0, v0, v1  }
0x17a: {  	v1 =	vld [tilespmem:s9+$0x1A730];
	[tilespmem:s9+$0x1A720] =	vst v0  }
0x17b: {  	v0 =	vld.idx.msk [tilespmem:v2+s15+$0x0], vm1;
	v2 =	vadd.s32 $0xFFFEFB00, v3  }
0x17c: {  	vm0 =	vgt.s32 v2, $0xFFFFFFFF  }
0x17d: {  	v3 =	vld [tilespmem:s9+$0x18750];
	_ =	sdelay $0x2  }
0x17e: {  	v0 =	vsel vm1, v0, v1  }
0x17f: {  	v1 =	vld [tilespmem:s9+$0x1A740];
	[tilespmem:s9+$0x1A730] =	vst v0  }
0x180: {  	v0 =	vld.idx.msk [tilespmem:v2+s15+$0x0], vm0;
	v2 =	vadd.s32 $0xFFFEFB00, v3  }
0x181: {  	vm1 =	vgt.s32 v2, $0xFFFFFFFF  }
0x182: {  	v3 =	vld [tilespmem:s9+$0x18760];
	_ =	sdelay $0x2  }
0x183: {  	v0 =	vsel vm0, v0, v1  }
0x184: {  	v1 =	vld [tilespmem:s9+$0x1A750];
	[tilespmem:s9+$0x1A740] =	vst v0  }
0x185: {  	v0 =	vld.idx.msk [tilespmem:v2+s15+$0x0], vm1;
	v2 =	vadd.s32 $0xFFFEFB00, v3  }
0x186: {  	vm0 =	vgt.s32 v2, $0xFFFFFFFF  }
0x187: {  	v3 =	vld [tilespmem:s9+$0x18770];
	_ =	sdelay $0x2  }
0x188: {  	v0 =	vsel vm1, v0, v1  }
0x189: {  	v1 =	vld [tilespmem:s9+$0x1A760];
	[tilespmem:s9+$0x1A750] =	vst v0  }
0x18a: {  	v0 =	vld.idx.msk [tilespmem:v2+s15+$0x0], vm0;
	v2 =	vadd.s32 $0xFFFEFB00, v3  }
0x18b: {  	vm1 =	vgt.s32 v2, $0xFFFFFFFF;
	_ =	sdelay $0x3  }
0x18c: {  	v0 =	vsel vm0, v0, v1  }
0x18d: {  	v1 =	vld [tilespmem:s9+$0x1A770];
	[tilespmem:s9+$0x1A760] =	vst v0  }
0x18e: {  	v0 =	vld.idx.msk [tilespmem:v2+s15+$0x0], vm1;
	_ =	sdelay $0x4  }
0x18f: {  	v0 =	vsel vm1, v0, v1  }
0x190: {  	s8 =	sadd.s32 $0x10500, s2;
	[tilespmem:s9+$0x1A770] =	vst v0;
	s9 =	sshll.u32 s30, $0x9  }
0x191: {  	[tilespmem:s15], [sflag:$0x3] =	stream.strided.gather [hbm4b:s8+s12], $0x8200, s13, s12, $0x38;
	[tilespmem:$0x1C700] =	vst v63  }
0x192: {  	s0 =	sand.u32 $0x7B000, s9  }
0x193: {  	s0 =	sadd.s32 s0, s10  }
0x194: {  	[hbm4b:s0+s12] =	stream.strided.scatter [tilespmem:s22], [sflag:$0x6], $0x1000, s13, s12, $0x38;
	[tilespmem:$0x1C700] =	vst v63  }
0x195: {  	s0 =	simm.s32 @!p0 $0x7  }
0x196: {  	p1 =	seq.s32 @!p0 s28, $0xC;
	_ =	swait.ge @!p0 [sflag:s0], $0x1000  }
0x197: {  	p1 =	por p0, !p1;
	[sflag:s0] =	ssyncset.done @!p0 $0x0  }
0x198: {  	[sflag:s0] =	ssyncadd.s32 @!p0 $0xFFFFF000;
	s0 =	sadd.s32 @p1 $0x2, s31  }
0x199: {  	s2 =	sshll.u32 @p1 s0, $0x4  }
0x19a: {  	s0 =	sshll.u32 @p1 s0, $0x9;
	s2 =	sand.u32 @p1 $0x60, s2  }
0x19b: {  	s0 =	sand.u32 @p1 $0x7000, s0;
	s2 =	sadd.s32 @p1 s4, s2  }
0x19c: {  	s0 =	sadd.s32 @p1 s0, s2  }
0x19d: {  	[tilespmem:s16], [sflag:$0x4] =	stream.strided.gather @p1 [hbm4b:s0+s12], $0x1000, s13, s12, $0x38;
	[tilespmem:$0x1C700] =	vst v63  }
0x19e: {  	_ =	swait.ge [sflag:s23], $0x1000  }
0x19f: {  	[sflag:s23] =	ssyncset.done $0x0  }
0x1a0: {  	[sflag:s23] =	ssyncadd.s32 $0xFFFFF000  }
0x1a1: {  	_ =	swait.ge [sflag:s19], $0x8280  }
0x1a2: {  	[sflag:s19] =	ssyncset.done $0x0  }
0x1a3: {  	s0 =	simm.s32 $0x0;
	[sflag:s19] =	ssyncadd.s32 $0xFFFF7D80  }
0x1a4: {  	v0 =	vld [tilespmem:s0+$0x19700];
	_ =	sdelay $0x4  }
0x1a5: {  	vm0 =	vlt.s32 v0, $0x8280  }
0x1a6: {  	v1 =	vld [tilespmem:s0+$0x19710];
	_ =	sdelay $0x4  }
0x1a7: {  	v0 =	vld.idx.msk [tilespmem:v0+s5+$0x0], vm0;
	vm0 =	vlt.s32 v1, $0x8280  }
0x1a8: {  	v2 =	vld [tilespmem:s0+$0x19720];
	_ =	sdelay $0x3  }
0x1a9: {  	[tilespmem:s0+$0x1B700] =	vst v0  }
0x1aa: {  	v0 =	vld.idx.msk [tilespmem:v1+s5+$0x0], vm0;
	vm0 =	vlt.s32 v2, $0x8280  }
0x1ab: {  	v1 =	vld [tilespmem:s0+$0x19730];
	_ =	sdelay $0x3  }
0x1ac: {  	[tilespmem:s0+$0x1B710] =	vst v0  }
0x1ad: {  	v0 =	vld.idx.msk [tilespmem:v2+s5+$0x0], vm0;
	vm0 =	vlt.s32 v1, $0x8280  }
0x1ae: {  	v2 =	vld [tilespmem:s0+$0x19740];
	_ =	sdelay $0x3  }
0x1af: {  	[tilespmem:s0+$0x1B720] =	vst v0  }
0x1b0: {  	v0 =	vld.idx.msk [tilespmem:v1+s5+$0x0], vm0;
	vm0 =	vlt.s32 v2, $0x8280  }
0x1b1: {  	v1 =	vld [tilespmem:s0+$0x19750];
	_ =	sdelay $0x3  }
0x1b2: {  	[tilespmem:s0+$0x1B730] =	vst v0  }
0x1b3: {  	v0 =	vld.idx.msk [tilespmem:v2+s5+$0x0], vm0;
	vm0 =	vlt.s32 v1, $0x8280  }
0x1b4: {  	v2 =	vld [tilespmem:s0+$0x19760];
	_ =	sdelay $0x3  }
0x1b5: {  	[tilespmem:s0+$0x1B740] =	vst v0  }
0x1b6: {  	v1 =	vld.idx.msk [tilespmem:v1+s5+$0x0], vm0;
	vm0 =	vlt.s32 v2, $0x8280  }
0x1b7: {  	v0 =	vld [tilespmem:s0+$0x19770];
	_ =	sdelay $0x3  }
0x1b8: {  	[tilespmem:s0+$0x1B750] =	vst v1  }
0x1b9: {  	p0 =	por @!p0 $0x1, $0x1;
	v1 =	vld.idx.msk [tilespmem:v2+s5+$0x0], vm0;
	vm0 =	vlt.s32 v0, $0x8280  }
0x1ba: {  	s8 =	simm.s32 $0x80;
	p0 =	por @p1 $0x0, $0x0;
	s2 =	simm.s32 $0x400  }
.LBB2_9:
0x1bb: {  	p1 =	sne.s32 s2, $0x3E00;
	v2 =	vld [tilespmem:s8+$0x19700];
	_ =	sdelay $0x2  }
0x1bc: {  	[tilespmem:s0+$0x1B760] =	vst v1  }
0x1bd: {  	v0 =	vld.idx.msk [tilespmem:v0+s5+$0x0], vm0  }
0x1be: {  	vm0 =	vlt.s32 v2, $0x8280;
	_ =	sdelay $0x1  }
0x1bf: {  	v1 =	vld [tilespmem:s8+$0x19710];
	_ =	sdelay $0x2  }
0x1c0: {  	[tilespmem:s0+$0x1B770] =	vst v0;
	s0 =	smov.u32 s8  }
0x1c1: {  	v0 =	vld.idx.msk [tilespmem:v2+s5+$0x0], vm0  }
0x1c2: {  	vm0 =	vlt.s32 v1, $0x8280;
	_ =	sdelay $0x1  }
0x1c3: {  	v2 =	vld [tilespmem:s0+$0x19720];
	_ =	sdelay $0x2  }
0x1c4: {  	[tilespmem:s0+$0x1B700] =	vst v0  }
0x1c5: {  	v0 =	vld.idx.msk [tilespmem:v1+s5+$0x0], vm0  }
0x1c6: {  	vm0 =	vlt.s32 v2, $0x8280;
	_ =	sdelay $0x1  }
0x1c7: {  	v1 =	vld [tilespmem:s0+$0x19730];
	_ =	sdelay $0x2  }
0x1c8: {  	[tilespmem:s0+$0x1B710] =	vst v0  }
0x1c9: {  	v0 =	vld.idx.msk [tilespmem:v2+s5+$0x0], vm0  }
0x1ca: {  	vm0 =	vlt.s32 v1, $0x8280;
	_ =	sdelay $0x1  }
0x1cb: {  	v2 =	vld [tilespmem:s0+$0x19740];
	_ =	sdelay $0x2  }
0x1cc: {  	[tilespmem:s0+$0x1B720] =	vst v0  }
0x1cd: {  	v0 =	vld.idx.msk [tilespmem:v1+s5+$0x0], vm0  }
0x1ce: {  	vm0 =	vlt.s32 v2, $0x8280;
	_ =	sdelay $0x1  }
0x1cf: {  	v1 =	vld [tilespmem:s0+$0x19750];
	_ =	sdelay $0x2  }
0x1d0: {  	[tilespmem:s0+$0x1B730] =	vst v0  }
0x1d1: {  	v0 =	vld.idx.msk [tilespmem:v2+s5+$0x0], vm0  }
0x1d2: {  	vm0 =	vlt.s32 v1, $0x8280;
	_ =	sdelay $0x1  }
0x1d3: {  	v2 =	vld [tilespmem:s0+$0x19760];
	_ =	sdelay $0x2  }
0x1d4: {  	[tilespmem:s0+$0x1B740] =	vst v0  }
0x1d5: {  	v1 =	vld.idx.msk [tilespmem:v1+s5+$0x0], vm0  }
0x1d6: {  	vm0 =	vlt.s32 v2, $0x8280;
	_ =	sdelay $0x1  }
0x1d7: {  	v0 =	vld [tilespmem:s0+$0x19770];
	_ =	sdelay $0x1  }
.Ltmp3:
0x1d8: {  	(pc) =	sbr.rel @p1 .LBB2_9-.Ltmp3, $4  }
0x1d9: {  	[tilespmem:s0+$0x1B750] =	vst v1  }
0x1da: {  	v1 =	vld.idx.msk [tilespmem:v2+s5+$0x0], vm0  }
0x1db: {  	vm0 =	vlt.s32 v0, $0x8280  }
0x1dc: {  	s8 =	sshra.s32 s2, $0x2;
	s2 =	sadd.s32 $0x200, s2  }
0x1dd: {  	v2 =	vld [tilespmem:s8+$0x19700];
	_ =	sdelay $0x3  }
0x1de: {  	[tilespmem:s0+$0x1B760] =	vst v1  }
0x1df: {  	v0 =	vld.idx.msk [tilespmem:v0+s5+$0x0], vm0;
	vm0 =	vlt.s32 v2, $0x8280  }
0x1e0: {  	v1 =	vld [tilespmem:s8+$0x19710];
	_ =	sdelay $0x3  }
0x1e1: {  	[tilespmem:s0+$0x1B770] =	vst v0  }
0x1e2: {  	v0 =	vld.idx.msk [tilespmem:v2+s5+$0x0], vm0;
	vm0 =	vlt.s32 v1, $0x8280  }
0x1e3: {  	v2 =	vld [tilespmem:s8+$0x19720];
	_ =	sdelay $0x3  }
0x1e4: {  	[tilespmem:s8+$0x1B700] =	vst v0  }
0x1e5: {  	v0 =	vld.idx.msk [tilespmem:v1+s5+$0x0], vm0;
	vm0 =	vlt.s32 v2, $0x8280  }
0x1e6: {  	v1 =	vld [tilespmem:s8+$0x19730];
	_ =	sdelay $0x3  }
0x1e7: {  	[tilespmem:s8+$0x1B710] =	vst v0  }
0x1e8: {  	v0 =	vld.idx.msk [tilespmem:v2+s5+$0x0], vm0;
	vm0 =	vlt.s32 v1, $0x8280  }
0x1e9: {  	v2 =	vld [tilespmem:s8+$0x19740];
	_ =	sdelay $0x3  }
0x1ea: {  	[tilespmem:s8+$0x1B720] =	vst v0  }
0x1eb: {  	v0 =	vld.idx.msk [tilespmem:v1+s5+$0x0], vm0;
	vm0 =	vlt.s32 v2, $0x8280  }
0x1ec: {  	v1 =	vld [tilespmem:s8+$0x19750];
	_ =	sdelay $0x3  }
0x1ed: {  	[tilespmem:s8+$0x1B730] =	vst v0  }
0x1ee: {  	v0 =	vld.idx.msk [tilespmem:v2+s5+$0x0], vm0;
	vm0 =	vlt.s32 v1, $0x8280  }
0x1ef: {  	v2 =	vld [tilespmem:s8+$0x19760];
	_ =	sdelay $0x3  }
0x1f0: {  	[tilespmem:s8+$0x1B740] =	vst v0  }
0x1f1: {  	v0 =	vld.idx.msk [tilespmem:v1+s5+$0x0], vm0;
	vm0 =	vlt.s32 v2, $0x8280  }
0x1f2: {  	v1 =	vld [tilespmem:s8+$0x19770];
	_ =	sdelay $0x3  }
0x1f3: {  	[tilespmem:s8+$0x1B750] =	vst v0  }
0x1f4: {  	v0 =	vld.idx.msk [tilespmem:v2+s5+$0x0], vm0;
	vm0 =	vlt.s32 v1, $0x8280;
	_ =	sdelay $0x4  }
0x1f5: {  	s0 =	sshrl.u32 @!p0 s30, $0x3;
	[tilespmem:s8+$0x1B760] =	vst v0  }
0x1f6: {  	s0 =	smul.u32 @!p0 $0xC3800, s0;
	v0 =	vld.idx.msk [tilespmem:v1+s5+$0x0], vm0;
	_ =	sdelay $0x1  }
0x1f7: {  	s0 =	sor.u32 @!p0 s6, s0  }
0x1f8: {  	s0 =	sadd.s32 @!p0 $0x61C000, s0  }
0x1f9: {  	s2 =	simm.s32 @!p0 $0x400;
	s0 =	sshrl.u32 @!p0 s0, $0x3  }
0x1fa: {  	s30 =	sadd.s32 @!p0 s1, s0;
	s0 =	simm.s32 @!p0 $0x80;
	[tilespmem:s8+$0x1B770] =	vst v0;
	s8 =	simm.s32 @!p0 $0x0  }
0x1fb: {  	[tilespmem:s8], [sflag:$0x1] =	stream.strided.gather @!p0 [hbm4b:s30+s0], $0x8280, s2, s0, $0x38;
	[tilespmem:$0x1C700] =	vst v63  }
0x1fc: {  	_ =	swait.ge [sflag:s20], $0x8280  }
0x1fd: {  	[sflag:s20] =	ssyncset.done $0x0  }
0x1fe: {  	s0 =	simm.s32 $0x0;
	[sflag:s20] =	ssyncadd.s32 $0xFFFF7D80  }
0x1ff: {  	v0 =	vld [tilespmem:s0+$0x19700];
	_ =	sdelay $0x4  }
0x200: {  	v0 =	vadd.s32 $0xFFFF7D80, v0  }
0x201: {  	vm0 =	vlt.u32 v0, $0x8280  }
0x202: {  	v1 =	vld [tilespmem:s0+$0x19710];
	_ =	sdelay $0x3  }
0x203: {  	v2 =	vld [tilespmem:s0+$0x1B700]  }
0x204: {  	v1 =	vadd.s32 $0xFFFF7D80, v1;
	v0 =	vld.idx.msk [tilespmem:v0+s14+$0x0], vm0  }
0x205: {  	vm1 =	vlt.u32 v1, $0x8280;
	_ =	sdelay $0x1  }
0x206: {  	v3 =	vld [tilespmem:s0+$0x19720];
	_ =	sdelay $0x1  }
0x207: {  	v0 =	vsel vm0, v0, v2  }
0x208: {  	[tilespmem:s0+$0x1B700] =	vst v0  }
0x209: {  	v0 =	vld.idx.msk [tilespmem:v1+s14+$0x0], vm1  }
0x20a: {  	v2 =	vadd.s32 $0xFFFF7D80, v3;
	v1 =	vld [tilespmem:s0+$0x1B710]  }
0x20b: {  	vm0 =	vlt.u32 v2, $0x8280  }
0x20c: {  	v3 =	vld [tilespmem:s0+$0x19730];
	_ =	sdelay $0x2  }
0x20d: {  	v0 =	vsel vm1, v0, v1  }
0x20e: {  	v1 =	vld [tilespmem:s0+$0x1B720];
	[tilespmem:s0+$0x1B710] =	vst v0  }
0x20f: {  	v0 =	vld.idx.msk [tilespmem:v2+s14+$0x0], vm0;
	v2 =	vadd.s32 $0xFFFF7D80, v3  }
0x210: {  	vm1 =	vlt.u32 v2, $0x8280  }
0x211: {  	v3 =	vld [tilespmem:s0+$0x19740];
	_ =	sdelay $0x2  }
0x212: {  	v0 =	vsel vm0, v0, v1  }
0x213: {  	v1 =	vld [tilespmem:s0+$0x1B730];
	[tilespmem:s0+$0x1B720] =	vst v0  }
0x214: {  	v0 =	vld.idx.msk [tilespmem:v2+s14+$0x0], vm1;
	v2 =	vadd.s32 $0xFFFF7D80, v3  }
0x215: {  	vm0 =	vlt.u32 v2, $0x8280  }
0x216: {  	v3 =	vld [tilespmem:s0+$0x19750];
	_ =	sdelay $0x2  }
0x217: {  	v0 =	vsel vm1, v0, v1  }
0x218: {  	v1 =	vld [tilespmem:s0+$0x1B740];
	[tilespmem:s0+$0x1B730] =	vst v0  }
0x219: {  	v0 =	vld.idx.msk [tilespmem:v2+s14+$0x0], vm0;
	v2 =	vadd.s32 $0xFFFF7D80, v3  }
0x21a: {  	vm1 =	vlt.u32 v2, $0x8280  }
0x21b: {  	v3 =	vld [tilespmem:s0+$0x19760];
	_ =	sdelay $0x2  }
0x21c: {  	v0 =	vsel vm0, v0, v1  }
0x21d: {  	v1 =	vld [tilespmem:s0+$0x1B750];
	[tilespmem:s0+$0x1B740] =	vst v0  }
0x21e: {  	v0 =	vld.idx.msk [tilespmem:v2+s14+$0x0], vm1;
	v2 =	vadd.s32 $0xFFFF7D80, v3  }
0x21f: {  	vm0 =	vlt.u32 v2, $0x8280;
	_ =	sdelay $0x1  }
0x220: {  	v3 =	vld [tilespmem:s0+$0x19770];
	_ =	sdelay $0x1  }
0x221: {  	v0 =	vsel vm1, v0, v1  }
0x222: {  	[tilespmem:s0+$0x1B750] =	vst v0  }
0x223: {  	v1 =	vld.idx.msk [tilespmem:v2+s14+$0x0], vm0  }
0x224: {  	v0 =	vadd.s32 $0xFFFF7D80, v3;
	v2 =	vld [tilespmem:s0+$0x1B760]  }
0x225: {  	vm1 =	vlt.u32 v0, $0x8280  }
0x226: {  	s8 =	simm.s32 $0x80;
	s2 =	simm.s32 $0x400  }
.LBB2_11:
0x227: {  	p1 =	sne.s32 s2, $0x3E00;
	v3 =	vld [tilespmem:s8+$0x19700];
	_ =	sdelay $0x1  }
0x228: {  	v1 =	vsel vm0, v1, v2  }
0x229: {  	[tilespmem:s0+$0x1B760] =	vst v1  }
0x22a: {  	v0 =	vld.idx.msk [tilespmem:v0+s14+$0x0], vm1  }
0x22b: {  	v1 =	vadd.s32 $0xFFFF7D80, v3;
	v2 =	vld [tilespmem:s0+$0x1B770]  }
0x22c: {  	vm0 =	vlt.u32 v1, $0x8280;
	_ =	sdelay $0x1  }
0x22d: {  	v3 =	vld [tilespmem:s8+$0x19710];
	_ =	sdelay $0x1  }
0x22e: {  	v0 =	vsel vm1, v0, v2  }
0x22f: {  	[tilespmem:s0+$0x1B770] =	vst v0;
	s0 =	smov.u32 s8  }
0x230: {  	v0 =	vld.idx.msk [tilespmem:v1+s14+$0x0], vm0  }
0x231: {  	v1 =	vld [tilespmem:s0+$0x1B700];
	v2 =	vadd.s32 $0xFFFF7D80, v3  }
0x232: {  	vm1 =	vlt.u32 v2, $0x8280;
	_ =	sdelay $0x1  }
0x233: {  	v3 =	vld [tilespmem:s0+$0x19720];
	_ =	sdelay $0x1  }
0x234: {  	v0 =	vsel vm0, v0, v1  }
0x235: {  	[tilespmem:s0+$0x1B700] =	vst v0  }
0x236: {  	v0 =	vld.idx.msk [tilespmem:v2+s14+$0x0], vm1  }
0x237: {  	v1 =	vld [tilespmem:s0+$0x1B710];
	v2 =	vadd.s32 $0xFFFF7D80, v3  }
0x238: {  	vm0 =	vlt.u32 v2, $0x8280;
	_ =	sdelay $0x1  }
0x239: {  	v3 =	vld [tilespmem:s0+$0x19730];
	_ =	sdelay $0x1  }
0x23a: {  	v0 =	vsel vm1, v0, v1  }
0x23b: {  	[tilespmem:s0+$0x1B710] =	vst v0  }
0x23c: {  	v0 =	vld.idx.msk [tilespmem:v2+s14+$0x0], vm0  }
0x23d: {  	v1 =	vld [tilespmem:s0+$0x1B720];
	v2 =	vadd.s32 $0xFFFF7D80, v3  }
0x23e: {  	vm1 =	vlt.u32 v2, $0x8280;
	_ =	sdelay $0x1  }
0x23f: {  	v3 =	vld [tilespmem:s0+$0x19740];
	_ =	sdelay $0x1  }
0x240: {  	v0 =	vsel vm0, v0, v1  }
0x241: {  	[tilespmem:s0+$0x1B720] =	vst v0  }
0x242: {  	v0 =	vld.idx.msk [tilespmem:v2+s14+$0x0], vm1  }
0x243: {  	v1 =	vld [tilespmem:s0+$0x1B730];
	v2 =	vadd.s32 $0xFFFF7D80, v3  }
0x244: {  	vm0 =	vlt.u32 v2, $0x8280;
	_ =	sdelay $0x1  }
0x245: {  	v3 =	vld [tilespmem:s0+$0x19750];
	_ =	sdelay $0x1  }
0x246: {  	v0 =	vsel vm1, v0, v1  }
0x247: {  	[tilespmem:s0+$0x1B730] =	vst v0  }
0x248: {  	v0 =	vld.idx.msk [tilespmem:v2+s14+$0x0], vm0  }
0x249: {  	v1 =	vld [tilespmem:s0+$0x1B740];
	v2 =	vadd.s32 $0xFFFF7D80, v3  }
0x24a: {  	vm1 =	vlt.u32 v2, $0x8280;
	_ =	sdelay $0x1  }
0x24b: {  	v3 =	vld [tilespmem:s0+$0x19760];
	_ =	sdelay $0x1  }
0x24c: {  	v0 =	vsel vm0, v0, v1  }
0x24d: {  	[tilespmem:s0+$0x1B740] =	vst v0  }
0x24e: {  	v0 =	vld.idx.msk [tilespmem:v2+s14+$0x0], vm1  }
0x24f: {  	v1 =	vld [tilespmem:s0+$0x1B750];
	v2 =	vadd.s32 $0xFFFF7D80, v3  }
0x250: {  	vm0 =	vlt.u32 v2, $0x8280;
	_ =	sdelay $0x1  }
0x251: {  	v3 =	vld [tilespmem:s0+$0x19770];
	_ =	sdelay $0x1  }
0x252: {  	v0 =	vsel vm1, v0, v1  }
.Ltmp4:
0x253: {  	[tilespmem:s0+$0x1B750] =	vst v0;
	(pc) =	sbr.rel @p1 .LBB2_11-.Ltmp4, $4  }
0x254: {  	v1 =	vld.idx.msk [tilespmem:v2+s14+$0x0], vm0  }
0x255: {  	v2 =	vld [tilespmem:s0+$0x1B760];
	v0 =	vadd.s32 $0xFFFF7D80, v3  }
0x256: {  	vm1 =	vlt.u32 v0, $0x8280  }
0x257: {  	s8 =	sshra.s32 s2, $0x2;
	s2 =	sadd.s32 $0x200, s2  }
0x258: {  	v3 =	vld [tilespmem:s8+$0x19700];
	_ =	sdelay $0x2  }
0x259: {  	v1 =	vsel vm0, v1, v2  }
0x25a: {  	v2 =	vld [tilespmem:s0+$0x1B770];
	[tilespmem:s0+$0x1B760] =	vst v1  }
0x25b: {  	v0 =	vld.idx.msk [tilespmem:v0+s14+$0x0], vm1;
	v1 =	vadd.s32 $0xFFFF7D80, v3  }
0x25c: {  	vm0 =	vlt.u32 v1, $0x8280;
	_ =	sdelay $0x1  }
0x25d: {  	v3 =	vld [tilespmem:s8+$0x19710];
	_ =	sdelay $0x1  }
0x25e: {  	v0 =	vsel vm1, v0, v2  }
0x25f: {  	[tilespmem:s0+$0x1B770] =	vst v0  }
0x260: {  	v0 =	vld.idx.msk [tilespmem:v1+s14+$0x0], vm0  }
0x261: {  	v2 =	vadd.s32 $0xFFFF7D80, v3;
	v1 =	vld [tilespmem:s8+$0x1B700]  }
0x262: {  	vm1 =	vlt.u32 v2, $0x8280  }
0x263: {  	v3 =	vld [tilespmem:s8+$0x19720];
	_ =	sdelay $0x2  }
0x264: {  	v0 =	vsel vm0, v0, v1  }
0x265: {  	v1 =	vld [tilespmem:s8+$0x1B710];
	[tilespmem:s8+$0x1B700] =	vst v0  }
0x266: {  	v0 =	vld.idx.msk [tilespmem:v2+s14+$0x0], vm1;
	v2 =	vadd.s32 $0xFFFF7D80, v3  }
0x267: {  	vm0 =	vlt.u32 v2, $0x8280  }
0x268: {  	v3 =	vld [tilespmem:s8+$0x19730];
	_ =	sdelay $0x2  }
0x269: {  	v0 =	vsel vm1, v0, v1  }
0x26a: {  	v1 =	vld [tilespmem:s8+$0x1B720];
	[tilespmem:s8+$0x1B710] =	vst v0  }
0x26b: {  	v0 =	vld.idx.msk [tilespmem:v2+s14+$0x0], vm0;
	v2 =	vadd.s32 $0xFFFF7D80, v3  }
0x26c: {  	vm1 =	vlt.u32 v2, $0x8280  }
0x26d: {  	v3 =	vld [tilespmem:s8+$0x19740];
	_ =	sdelay $0x2  }
0x26e: {  	v0 =	vsel vm0, v0, v1  }
0x26f: {  	v1 =	vld [tilespmem:s8+$0x1B730];
	[tilespmem:s8+$0x1B720] =	vst v0  }
0x270: {  	v0 =	vld.idx.msk [tilespmem:v2+s14+$0x0], vm1;
	v2 =	vadd.s32 $0xFFFF7D80, v3  }
0x271: {  	vm0 =	vlt.u32 v2, $0x8280  }
0x272: {  	v3 =	vld [tilespmem:s8+$0x19750];
	_ =	sdelay $0x2  }
0x273: {  	v0 =	vsel vm1, v0, v1  }
0x274: {  	v1 =	vld [tilespmem:s8+$0x1B740];
	[tilespmem:s8+$0x1B730] =	vst v0  }
0x275: {  	v0 =	vld.idx.msk [tilespmem:v2+s14+$0x0], vm0;
	v2 =	vadd.s32 $0xFFFF7D80, v3  }
0x276: {  	vm1 =	vlt.u32 v2, $0x8280  }
0x277: {  	v3 =	vld [tilespmem:s8+$0x19760];
	_ =	sdelay $0x2  }
0x278: {  	v0 =	vsel vm0, v0, v1  }
0x279: {  	v1 =	vld [tilespmem:s8+$0x1B750];
	[tilespmem:s8+$0x1B740] =	vst v0  }
0x27a: {  	v0 =	vld.idx.msk [tilespmem:v2+s14+$0x0], vm1;
	v2 =	vadd.s32 $0xFFFF7D80, v3  }
0x27b: {  	vm0 =	vlt.u32 v2, $0x8280  }
0x27c: {  	v3 =	vld [tilespmem:s8+$0x19770];
	_ =	sdelay $0x2  }
0x27d: {  	v0 =	vsel vm1, v0, v1  }
0x27e: {  	v1 =	vld [tilespmem:s8+$0x1B760];
	[tilespmem:s8+$0x1B750] =	vst v0  }
0x27f: {  	v0 =	vld.idx.msk [tilespmem:v2+s14+$0x0], vm0;
	v2 =	vadd.s32 $0xFFFF7D80, v3  }
0x280: {  	vm1 =	vlt.u32 v2, $0x8280;
	_ =	sdelay $0x3  }
0x281: {  	v0 =	vsel vm0, v0, v1  }
0x282: {  	v1 =	vld [tilespmem:s8+$0x1B770];
	[tilespmem:s8+$0x1B760] =	vst v0  }
0x283: {  	v0 =	vld.idx.msk [tilespmem:v2+s14+$0x0], vm1;
	_ =	sdelay $0x4  }
0x284: {  	s2 =	simm.s32 @!p0 $0x80;
	v0 =	vsel vm1, v0, v1  }
0x285: {  	s9 =	simm.s32 @!p0 $0x8280;
	s0 =	sadd.s32 @!p0 $0x8280, s30;
	[tilespmem:s8+$0x1B770] =	vst v0;
	s8 =	simm.s32 @!p0 $0x400  }
0x286: {  	[tilespmem:s9], [sflag:$0x2] =	stream.strided.gather @!p0 [hbm4b:s0+s2], $0x8280, s8, s2, $0x38;
	[tilespmem:$0x1C700] =	vst v63  }
0x287: {  	_ =	swait.ge [sflag:s21], $0x8200  }
0x288: {  	[sflag:s21] =	ssyncset.done $0x0  }
0x289: {  	s0 =	simm.s32 $0x0;
	[sflag:s21] =	ssyncadd.s32 $0xFFFF7E00  }
0x28a: {  	v0 =	vld [tilespmem:s0+$0x19700];
	_ =	sdelay $0x4  }
0x28b: {  	v0 =	vadd.s32 $0xFFFEFB00, v0  }
0x28c: {  	vm0 =	vgt.s32 v0, $0xFFFFFFFF  }
0x28d: {  	v1 =	vld [tilespmem:s0+$0x19710];
	_ =	sdelay $0x3  }
0x28e: {  	v2 =	vld [tilespmem:s0+$0x1B700]  }
0x28f: {  	v1 =	vadd.s32 $0xFFFEFB00, v1;
	v0 =	vld.idx.msk [tilespmem:v0+s15+$0x0], vm0  }
0x290: {  	vm1 =	vgt.s32 v1, $0xFFFFFFFF;
	_ =	sdelay $0x1  }
0x291: {  	v3 =	vld [tilespmem:s0+$0x19720];
	_ =	sdelay $0x1  }
0x292: {  	v0 =	vsel vm0, v0, v2  }
0x293: {  	[tilespmem:s0+$0x1B700] =	vst v0  }
0x294: {  	v0 =	vld.idx.msk [tilespmem:v1+s15+$0x0], vm1  }
0x295: {  	v2 =	vadd.s32 $0xFFFEFB00, v3;
	v1 =	vld [tilespmem:s0+$0x1B710]  }
0x296: {  	vm0 =	vgt.s32 v2, $0xFFFFFFFF  }
0x297: {  	v3 =	vld [tilespmem:s0+$0x19730];
	_ =	sdelay $0x2  }
0x298: {  	v0 =	vsel vm1, v0, v1  }
0x299: {  	v1 =	vld [tilespmem:s0+$0x1B720];
	[tilespmem:s0+$0x1B710] =	vst v0  }
0x29a: {  	v0 =	vld.idx.msk [tilespmem:v2+s15+$0x0], vm0;
	v2 =	vadd.s32 $0xFFFEFB00, v3  }
0x29b: {  	vm1 =	vgt.s32 v2, $0xFFFFFFFF  }
0x29c: {  	v3 =	vld [tilespmem:s0+$0x19740];
	_ =	sdelay $0x2  }
0x29d: {  	v0 =	vsel vm0, v0, v1  }
0x29e: {  	v1 =	vld [tilespmem:s0+$0x1B730];
	[tilespmem:s0+$0x1B720] =	vst v0  }
0x29f: {  	v0 =	vld.idx.msk [tilespmem:v2+s15+$0x0], vm1;
	v2 =	vadd.s32 $0xFFFEFB00, v3  }
0x2a0: {  	vm0 =	vgt.s32 v2, $0xFFFFFFFF  }
0x2a1: {  	v3 =	vld [tilespmem:s0+$0x19750];
	_ =	sdelay $0x2  }
0x2a2: {  	v0 =	vsel vm1, v0, v1  }
0x2a3: {  	v1 =	vld [tilespmem:s0+$0x1B740];
	[tilespmem:s0+$0x1B730] =	vst v0  }
0x2a4: {  	v0 =	vld.idx.msk [tilespmem:v2+s15+$0x0], vm0;
	v2 =	vadd.s32 $0xFFFEFB00, v3  }
0x2a5: {  	vm1 =	vgt.s32 v2, $0xFFFFFFFF  }
0x2a6: {  	v3 =	vld [tilespmem:s0+$0x19760];
	_ =	sdelay $0x2  }
0x2a7: {  	v0 =	vsel vm0, v0, v1  }
0x2a8: {  	v1 =	vld [tilespmem:s0+$0x1B750];
	[tilespmem:s0+$0x1B740] =	vst v0  }
0x2a9: {  	v0 =	vld.idx.msk [tilespmem:v2+s15+$0x0], vm1;
	v2 =	vadd.s32 $0xFFFEFB00, v3  }
0x2aa: {  	vm0 =	vgt.s32 v2, $0xFFFFFFFF;
	_ =	sdelay $0x1  }
0x2ab: {  	v3 =	vld [tilespmem:s0+$0x19770];
	_ =	sdelay $0x1  }
0x2ac: {  	v0 =	vsel vm1, v0, v1  }
0x2ad: {  	[tilespmem:s0+$0x1B750] =	vst v0  }
0x2ae: {  	v1 =	vld.idx.msk [tilespmem:v2+s15+$0x0], vm0  }
0x2af: {  	v0 =	vadd.s32 $0xFFFEFB00, v3;
	v2 =	vld [tilespmem:s0+$0x1B760]  }
0x2b0: {  	vm1 =	vgt.s32 v0, $0xFFFFFFFF  }
0x2b1: {  	s8 =	simm.s32 $0x80;
	s2 =	simm.s32 $0x400  }
.LBB2_13:
0x2b2: {  	p1 =	sne.s32 s2, $0x3E00;
	v3 =	vld [tilespmem:s8+$0x19700];
	_ =	sdelay $0x1  }
0x2b3: {  	v1 =	vsel vm0, v1, v2  }
0x2b4: {  	[tilespmem:s0+$0x1B760] =	vst v1  }
0x2b5: {  	v0 =	vld.idx.msk [tilespmem:v0+s15+$0x0], vm1  }
0x2b6: {  	v1 =	vadd.s32 $0xFFFEFB00, v3;
	v2 =	vld [tilespmem:s0+$0x1B770]  }
0x2b7: {  	vm0 =	vgt.s32 v1, $0xFFFFFFFF;
	_ =	sdelay $0x1  }
0x2b8: {  	v3 =	vld [tilespmem:s8+$0x19710];
	_ =	sdelay $0x1  }
0x2b9: {  	v0 =	vsel vm1, v0, v2  }
0x2ba: {  	[tilespmem:s0+$0x1B770] =	vst v0;
	s0 =	smov.u32 s8  }
0x2bb: {  	v0 =	vld.idx.msk [tilespmem:v1+s15+$0x0], vm0  }
0x2bc: {  	v1 =	vld [tilespmem:s0+$0x1B700];
	v2 =	vadd.s32 $0xFFFEFB00, v3  }
0x2bd: {  	vm1 =	vgt.s32 v2, $0xFFFFFFFF;
	_ =	sdelay $0x1  }
0x2be: {  	v3 =	vld [tilespmem:s0+$0x19720];
	_ =	sdelay $0x1  }
0x2bf: {  	v0 =	vsel vm0, v0, v1  }
0x2c0: {  	[tilespmem:s0+$0x1B700] =	vst v0  }
0x2c1: {  	v0 =	vld.idx.msk [tilespmem:v2+s15+$0x0], vm1  }
0x2c2: {  	v1 =	vld [tilespmem:s0+$0x1B710];
	v2 =	vadd.s32 $0xFFFEFB00, v3  }
0x2c3: {  	vm0 =	vgt.s32 v2, $0xFFFFFFFF;
	_ =	sdelay $0x1  }
0x2c4: {  	v3 =	vld [tilespmem:s0+$0x19730];
	_ =	sdelay $0x1  }
0x2c5: {  	v0 =	vsel vm1, v0, v1  }
0x2c6: {  	[tilespmem:s0+$0x1B710] =	vst v0  }
0x2c7: {  	v0 =	vld.idx.msk [tilespmem:v2+s15+$0x0], vm0  }
0x2c8: {  	v1 =	vld [tilespmem:s0+$0x1B720];
	v2 =	vadd.s32 $0xFFFEFB00, v3  }
0x2c9: {  	vm1 =	vgt.s32 v2, $0xFFFFFFFF;
	_ =	sdelay $0x1  }
0x2ca: {  	v3 =	vld [tilespmem:s0+$0x19740];
	_ =	sdelay $0x1  }
0x2cb: {  	v0 =	vsel vm0, v0, v1  }
0x2cc: {  	[tilespmem:s0+$0x1B720] =	vst v0  }
0x2cd: {  	v0 =	vld.idx.msk [tilespmem:v2+s15+$0x0], vm1  }
0x2ce: {  	v1 =	vld [tilespmem:s0+$0x1B730];
	v2 =	vadd.s32 $0xFFFEFB00, v3  }
0x2cf: {  	vm0 =	vgt.s32 v2, $0xFFFFFFFF;
	_ =	sdelay $0x1  }
0x2d0: {  	v3 =	vld [tilespmem:s0+$0x19750];
	_ =	sdelay $0x1  }
0x2d1: {  	v0 =	vsel vm1, v0, v1  }
0x2d2: {  	[tilespmem:s0+$0x1B730] =	vst v0  }
0x2d3: {  	v0 =	vld.idx.msk [tilespmem:v2+s15+$0x0], vm0  }
0x2d4: {  	v1 =	vld [tilespmem:s0+$0x1B740];
	v2 =	vadd.s32 $0xFFFEFB00, v3  }
0x2d5: {  	vm1 =	vgt.s32 v2, $0xFFFFFFFF;
	_ =	sdelay $0x1  }
0x2d6: {  	v3 =	vld [tilespmem:s0+$0x19760];
	_ =	sdelay $0x1  }
0x2d7: {  	v0 =	vsel vm0, v0, v1  }
0x2d8: {  	[tilespmem:s0+$0x1B740] =	vst v0  }
0x2d9: {  	v0 =	vld.idx.msk [tilespmem:v2+s15+$0x0], vm1  }
0x2da: {  	v1 =	vld [tilespmem:s0+$0x1B750];
	v2 =	vadd.s32 $0xFFFEFB00, v3  }
0x2db: {  	vm0 =	vgt.s32 v2, $0xFFFFFFFF;
	_ =	sdelay $0x1  }
0x2dc: {  	v3 =	vld [tilespmem:s0+$0x19770];
	_ =	sdelay $0x1  }
0x2dd: {  	v0 =	vsel vm1, v0, v1  }
.Ltmp5:
0x2de: {  	[tilespmem:s0+$0x1B750] =	vst v0;
	(pc) =	sbr.rel @p1 .LBB2_13-.Ltmp5, $4  }
0x2df: {  	v1 =	vld.idx.msk [tilespmem:v2+s15+$0x0], vm0  }
0x2e0: {  	v2 =	vld [tilespmem:s0+$0x1B760];
	v0 =	vadd.s32 $0xFFFEFB00, v3  }
0x2e1: {  	vm1 =	vgt.s32 v0, $0xFFFFFFFF  }
0x2e2: {  	s8 =	sshra.s32 s2, $0x2;
	s2 =	sadd.s32 $0x200, s2  }
0x2e3: {  	_ = 	snop  }
0x2e4: {  	v3 =	vld [tilespmem:s8+$0x19700];
	_ =	sdelay $0x1  }
0x2e5: {  	v1 =	vsel vm0, v1, v2  }
0x2e6: {  	v41 =	vld [tilespmem:s0+$0x1B770];
	[tilespmem:s0+$0x1B760] =	vst v1  }
0x2e7: {  	v0 =	vld.idx.msk [tilespmem:v0+s15+$0x0], vm1  }
0x2e8: {  	v40 =	vadd.s32 $0xFFFEFB00, v3  }
0x2e9: {  	vm8 =	vgt.s32 v40, $0xFFFFFFFF  }
0x2ea: {  	v42 =	vld [tilespmem:s8+$0x19710];
	_ =	sdelay $0x1  }
0x2eb: {  	v0 =	vsel vm1, v0, v41  }
0x2ec: {  	[tilespmem:s0+$0x1B770] =	vst v0  }
0x2ed: {  	v43 =	vld [tilespmem:s8+$0x1B700]  }
0x2ee: {  	v44 =	vadd.s32 $0xFFFEFB00, v42;
	v0 =	vld.idx.msk [tilespmem:v40+s15+$0x0], vm8  }
0x2ef: {  	vm9 =	vgt.s32 v44, $0xFFFFFFFF  }
0x2f0: {  	v45 =	vld [tilespmem:s8+$0x19720];
	_ =	sdelay $0x2  }
0x2f1: {  	v0 =	vsel vm8, v0, v43  }
0x2f2: {  	v46 =	vld [tilespmem:s8+$0x1B710];
	[tilespmem:s8+$0x1B700] =	vst v0  }
0x2f3: {  	v47 =	vadd.s32 $0xFFFEFB00, v45;
	v0 =	vld.idx.msk [tilespmem:v44+s15+$0x0], vm9  }
0x2f4: {  	vm10 =	vgt.s32 v47, $0xFFFFFFFF  }
0x2f5: {  	v48 =	vld [tilespmem:s8+$0x19730];
	_ =	sdelay $0x2  }
0x2f6: {  	v0 =	vsel vm9, v0, v46  }
0x2f7: {  	v49 =	vld [tilespmem:s8+$0x1B720];
	[tilespmem:s8+$0x1B710] =	vst v0  }
0x2f8: {  	v50 =	vadd.s32 $0xFFFEFB00, v48;
	v0 =	vld.idx.msk [tilespmem:v47+s15+$0x0], vm10  }
0x2f9: {  	vm11 =	vgt.s32 v50, $0xFFFFFFFF  }
0x2fa: {  	v51 =	vld [tilespmem:s8+$0x19740];
	_ =	sdelay $0x2  }
0x2fb: {  	v0 =	vsel vm10, v0, v49  }
0x2fc: {  	v52 =	vld [tilespmem:s8+$0x1B730];
	[tilespmem:s8+$0x1B720] =	vst v0  }
0x2fd: {  	v53 =	vadd.s32 $0xFFFEFB00, v51;
	v0 =	vld.idx.msk [tilespmem:v50+s15+$0x0], vm11  }
0x2fe: {  	vm12 =	vgt.s32 v53, $0xFFFFFFFF  }
0x2ff: {  	v54 =	vld [tilespmem:s8+$0x19750];
	_ =	sdelay $0x2  }
0x300: {  	v0 =	vsel vm11, v0, v52  }
0x301: {  	v55 =	vld [tilespmem:s8+$0x1B740];
	[tilespmem:s8+$0x1B730] =	vst v0  }
0x302: {  	v56 =	vadd.s32 $0xFFFEFB00, v54;
	v0 =	vld.idx.msk [tilespmem:v53+s15+$0x0], vm12  }
0x303: {  	vm13 =	vgt.s32 v56, $0xFFFFFFFF  }
0x304: {  	v57 =	vld [tilespmem:s8+$0x19760];
	_ =	sdelay $0x2  }
0x305: {  	v0 =	vsel vm12, v0, v55  }
0x306: {  	v58 =	vld [tilespmem:s8+$0x1B750];
	[tilespmem:s8+$0x1B740] =	vst v0  }
0x307: {  	v59 =	vadd.s32 $0xFFFEFB00, v57;
	v0 =	vld.idx.msk [tilespmem:v56+s15+$0x0], vm13  }
0x308: {  	vm14 =	vgt.s32 v59, $0xFFFFFFFF  }
0x309: {  	v60 =	vld [tilespmem:s8+$0x19770];
	_ =	sdelay $0x2  }
0x30a: {  	v0 =	vsel vm13, v0, v58  }
0x30b: {  	v61 =	vld [tilespmem:s8+$0x1B760];
	[tilespmem:s8+$0x1B750] =	vst v0  }
0x30c: {  	v62 =	vadd.s32 $0xFFFEFB00, v60;
	v0 =	vld.idx.msk [tilespmem:v59+s15+$0x0], vm14  }
0x30d: {  	vm15 =	vgt.s32 v62, $0xFFFFFFFF;
	_ =	sdelay $0x3  }
0x30e: {  	v0 =	vsel vm14, v0, v61  }
0x30f: {  	v63 =	vld [tilespmem:s8+$0x1B770];
	[tilespmem:s8+$0x1B760] =	vst v0  }
0x310: {  	v0 =	vld.idx.msk [tilespmem:v62+s15+$0x0], vm15;
	_ =	sdelay $0x3  }
0x311: {  	s0 =	sshll.u32 @p0 s29, $0x9  }
0x312: {  	s2 =	simm.s32 @p0 $0x80;
	s0 =	sand.u32 @p0 $0xFFFF000, s0;
	v0 =	vsel vm15, v0, v63  }
0x313: {  	s9 =	simm.s32 @p0 $0x1B700;
	s0 =	sadd.s32 @p0 s0, s10;
	[tilespmem:s8+$0x1B770] =	vst v0;
	s8 =	simm.s32 @p0 $0x400  }
0x314: {  	[hbm4b:s0+s2] =	stream.strided.scatter @p0 [tilespmem:s9], [sflag:$0x7], $0x1000, s8, s2, $0x38;
	[tilespmem:$0x1C700] =	vst v63  }
0x315: {  	s0 =	sadd.s32 @!p0 $0x10500, s30  }
0x316: {  	s2 =	simm.s32 @!p0 $0x80;
	s8 =	simm.s32 @!p0 $0x400;
	s9 =	simm.s32 @!p0 $0x10500  }
0x317: {  	[tilespmem:s9], [sflag:$0x3] =	stream.strided.gather @!p0 [hbm4b:s0+s2], $0x8200, s8, s2, $0x38;
	[tilespmem:$0x1C700] =	vst v63  }
0x318: {  	s0 =	sshll.u32 @!p0 s29, $0x9  }
0x319: {  	s28 =	sadd.s32 $0x1, s28;
	s0 =	sand.u32 @!p0 $0xFFFF000, s0  }
0x31a: {  	p1 =	sne.s32 s28, $0xD;
	s9 =	simm.s32 @!p0 $0x1B700;
	s0 =	sadd.s32 @!p0 s0, s10  }
0x31b: {  	[hbm4b:s0+s2] =	stream.strided.scatter @!p0 [tilespmem:s9], [sflag:$0x7], $0x1000, s8, s2, $0x38;
	[tilespmem:$0x1C700] =	vst v63  }
.Ltmp6:
0x31c: {  	_ = 	snop;
	(pc) =	sbr.rel @p1 .LBB2_2-.Ltmp6, $4  }
0x31d: {  	s0 =	simm.s32 @!p0 $0x4  }
0x31e: {  	_ =	swait.ge @!p0 [sflag:s0], $0x1000  }
0x31f: {  	[sflag:s0] =	ssyncset.done @!p0 $0x0  }
0x320: {  	[sflag:s0] =	ssyncadd.s32 @!p0 $0xFFFFF000  }
0x321: {  	s26 =	sadd.s32 $0x1, s26  }
0x322: {  	_ =	swait.ge [sflag:s24], $0x1000;
	p0 =	sne.s32 s26, s11  }
.Ltmp7:
0x323: {  	[sflag:s24] =	ssyncset.done $0x0;
	(pc) =	sbr.rel @p0 .LBB2_1-.Ltmp7, $4  }
0x324: {  	[sflag:s24] =	ssyncadd.s32 $0xFFFFF000  }
0x325: {  	_ =	swait.ge [sflag:s25], $0x1000  }
0x326: {  	[sflag:s25] =	ssyncset.done $0x0  }
0x327: {  	[sflag:s25] =	ssyncadd.s32 $0xFFFFF000  }
0x328: {  	_ =	sfence.sel $0x180000  }
0x329: {  	[bflag:$0x0] =	sbarrier.arrive $0xFFFF  }
0x32a: {  	_ =	strace $0x90000047  }
0x32b: {  	s0 =	stileid.u32;
	[bflag:$0x2] =	sbarrier.arrive $0xFFFF  }
0x32c: {  	p0 =	sne.s32 s0, $0x0;
	s0 =	rddreg [dreg:$0x3]  }
0x32d: {  	s0 =	sadd.s32 @!p0 $0x100000, s0  }
0x32e: {  	[sflag:s0] =	ssyncadd.tile.s32 @!p0 $0x1;
	_ =	shalt  }
.Lfunc_end2:
_tile_overlayer_lowered:
.L_overlay_start_2:
0x32f: {  	(tag) =	ssettag $0x2  }
0x330: {  	s0 =	rddreg [dreg:$0x0];
	s2 =	stileid.u32  }
0x331: {  	s1 =	rddreg [dreg:$0x1];
	p0 =	sne.s32 s2, $0x0  }
0x332: {  	s3 =	rddreg [dreg:$0x2];
	[bflag:$0x3] =	sbarrier.arrive $0xFFFF;
	s2 =	simm.s32 @!p0 $0x1C08  }
0x333: {  	[timem:s3], [sflag:s2] =	dma.local @!p0 [hbm:s0], s1  }
0x334: {  	s0 =	simm.s32 @!p0 $0x8  }
0x335: {  	_ =	swait.ge @!p0 [sflag:s0], s1  }
0x336: {  	s1 =	ssub.s32 @!p0 $0x0, s1;
	[sflag:s0] =	ssyncset.done @!p0 $0x0  }
0x337: {  	[sflag:s0] =	ssyncadd.s32 @!p0 s1  }
0x338: {  	[bflag:$0x3] =	sbarrier.arrive $0xFFFF  }
0x339: {  	_ =	shalt  }

</sc_bundles>
